<compile_context>
chip_gen: v7x
topology: tpu7x:2x2x1
jax: 0.10.2.dev20260603
libtpu: 0.0.44.dev20260713+nightly
codegen_flags: <defaults>
</compile_context>

<pallas_src>
import functools

import jax
import jax.numpy as jnp
from jax import lax
from jax.experimental import pallas as pl
from jax.experimental.pallas import tpu as pltpu
from jax.experimental.pallas import tpu_sc as plsc

B = 16
NB = 32
A = 3
C = 80
CH = A * (5 + C)
IMG = 640.0
SCALES = ((20, 20), (20, 20), (20, 20))
HWS = tuple(h * w for h, w in SCALES)


def _softplus(x):
    return jnp.maximum(x, 0.0) + jnp.log1p(jnp.exp(-jnp.abs(x)))


def _smooth_l1(d):
    ad = jnp.abs(d)
    return jnp.where(ad < 1.0, 0.5 * d * d, ad - 0.5)


def _cells_from_boxes(x1, y1, x2, y2, w, h):
    cx = jnp.minimum(jnp.maximum((x1 + x2) * 0.5 / IMG, 0.0), 1.0 - 1e-6)
    cy = jnp.minimum(jnp.maximum((y1 + y2) * 0.5 / IMG, 0.0), 1.0 - 1e-6)
    gx = cx * float(w)
    gy = cy * float(h)
    gi = jnp.minimum(jnp.maximum(gx.astype(jnp.int32), 0), w - 1)
    gj = jnp.minimum(jnp.maximum(gy.astype(jnp.int32), 0), h - 1)
    cell = gj * w + gi
    return gx, gy, gi, gj, cell



_MESH = plsc.VectorSubcoreMesh(core_axis_name="c", subcore_axis_name="s")


@functools.partial(
    pl.kernel,
    out_type=[jax.ShapeDtypeStruct((B, 2, 4096, 16), jnp.float32)
              for _ in range(3)],
    mesh=_MESH,
    scratch_types=[
        pltpu.VMEM((4, 16), jnp.float32),
        pltpu.VMEM((32, 128), jnp.int32),
        pltpu.VMEM((4096, 16), jnp.float32),
        pltpu.SemaphoreType.DMA,
    ],
    compiler_params=pltpu.CompilerParams(use_tc_tiling_on_sc=False),
)
def _sc_gather(p0, p1, p2, bt, out0, out1, out2,
               bx_v, idx_v, rows_v, sem):
    wid = lax.axis_index("s") * 2 + lax.axis_index("c")
    b = wid // 2
    half = wid % 2
    j0 = half * 16
    for k in range(4):
        pltpu.sync_copy(bt.at[k, b, pl.ds(j0, 16)], bx_v.at[k])
    x1 = bx_v[0, :]
    y1 = bx_v[1, :]
    x2 = bx_v[2, :]
    y2 = bx_v[3, :]

    for (h, w), hw, tab, out in zip(SCALES, HWS, (p0, p1, p2),
                                    (out0, out1, out2)):
        _, _, _, _, cell = _cells_from_boxes(x1, y1, x2, y2, w, h)
        crow = jnp.right_shift(cell, 4) + b * (CH * hw // 16)

        def build(k, carry):
            for mm in range(8):
                ch = jnp.minimum(8 * k + mm, CH - 1)
                idx_v[k, pl.ds(mm * 16, 16)] = crow + ch * (hw // 16)
            return carry

        lax.fori_loop(0, 32, build, 0)

        def fire(k, carry):
            pltpu.async_copy(tab.at[idx_v.at[k]],
                             rows_v.at[pl.ds(k * 128, 128)], sem)
            return carry

        lax.fori_loop(0, 32, fire, 0)

        def drain(k, carry):
            pltpu.make_async_copy(tab.at[idx_v.at[k]],
                                  rows_v.at[pl.ds(k * 128, 128)], sem).wait()
            return carry

        lax.fori_loop(0, 32, drain, 0)
        pltpu.sync_copy(rows_v, out.at[b, half])




def _sel_body(bt, c0, c1, c2, o0, o1, o2):
    bx = bt[...]
    x1 = bx[0, :, 0:1]
    y1 = bx[0, :, 1:2]
    x2 = bx[0, :, 2:3]
    y2 = bx[0, :, 3:4]
    jj = lax.broadcasted_iota(jnp.int32, (NB, 16), 1)
    for (h, w), cref, oref in zip(SCALES, (c0, c1, c2), (o0, o1, o2)):
        _, _, _, _, cell = _cells_from_boxes(x1, y1, x2, y2, w, h)
        lane = jnp.bitwise_and(cell, 15)
        mask = (jj == lane).astype(jnp.float32).reshape(2, 16, 16)
        oref[...] = jnp.sum(cref[...] * mask[None, :, None, :, :], axis=4)


def _tc_select(r0, r1, r2, boxes):
    rows_spec = pl.BlockSpec((1, 2, 256, 16, 16),
                             lambda b: (b, 0, 0, 0, 0))
    out_spec = pl.BlockSpec((1, 2, 256, 16), lambda b: (b, 0, 0, 0))
    return pl.pallas_call(
        _sel_body,
        grid=(B,),
        in_specs=[pl.BlockSpec((1, NB, 4), lambda b: (b, 0, 0)),
                  rows_spec, rows_spec, rows_spec],
        out_specs=[out_spec] * 3,
        out_shape=[jax.ShapeDtypeStruct((B, 2, 256, 16), jnp.float32)] * 3,
    )(boxes, r0, r1, r2)




def _tc_body(p0b, p1b, p2b, c0, c1, c2, bt, lab, out, acc):
    a = pl.program_id(0)

    @pl.when(a == 0)
    def _init():
        for i in range(3):
            acc[i] = 0.0

    for i, pb in enumerate((p0b, p1b, p2b)):
        acc[i] = acc[i] + jnp.sum(_softplus(pb[...]))

    @pl.when(a == 2)
    def _final():
        labi = lab[...].astype(jnp.int32)
        bx = bt[...]
        x1, y1, x2, y2 = bx[0], bx[1], bx[2], bx[3]
        valid = (labi >= 0) & (labi < C)
        vf = valid.astype(jnp.float32)
        nv = jnp.sum(vf, axis=1)
        labc = jnp.minimum(jnp.maximum(labi, 0), C - 1)
        bw = jnp.minimum(jnp.maximum((x2 - x1) / IMG, 1e-6), 1.0)
        bh = jnp.minimum(jnp.maximum((y2 - y1) / IMG, 1e-6), 1.0)

        ii = lax.broadcasted_iota(jnp.int32, (NB, NB), 1)
        jj = lax.broadcasted_iota(jnp.int32, (NB, NB), 0)
        earlier = (ii < jj)[None]
        vprev = valid[:, None, :]
        lab3 = labc.reshape(B, 2, 16)
        vf3 = vf.reshape(B, 2, 16)
        cls_iota = lax.broadcasted_iota(jnp.int32, (B, 2, C, 16), 2)

        obj_loss = jnp.zeros((), jnp.float32)
        cls_loss = jnp.zeros((), jnp.float32)
        box_loss = jnp.zeros((), jnp.float32)
        for s, ((h, w), hw, cref) in enumerate(zip(SCALES, HWS, (c0, c1, c2))):
            cols = cref[...]
            gx, gy, gi, gj, cell = _cells_from_boxes(x1, y1, x2, y2, w, h)
            tx = (gx - gi.astype(jnp.float32)).reshape(B, 2, 16)
            ty = (gy - gj.astype(jnp.float32)).reshape(B, 2, 16)

            same = cell[:, :, None] == cell[:, None, :]
            prev = jnp.any(same & earlier & vprev, axis=2)
            uniq = vf * (1.0 - prev.astype(jnp.float32))
            same_cl = same & (labc[:, :, None] == labc[:, None, :])
            prev_cl = jnp.any(same_cl & earlier & vprev, axis=2)
            uniq_cl = vf * (1.0 - prev_cl.astype(jnp.float32))
            uniq3 = uniq.reshape(B, 2, 16)
            uniq_cl3 = uniq_cl.reshape(B, 2, 16)

            u_cnt = jnp.sum(uniq)
            pos = float(A) * u_cnt
            neg = float(B * A * hw) - pos

            g_sp = jnp.zeros((), jnp.float32)
            g_x = jnp.zeros((), jnp.float32)
            cls_sp = jnp.zeros((), jnp.float32)
            cls_corr = jnp.zeros((), jnp.float32)
            box_b = jnp.zeros((B,), jnp.float32)
            tgt = jnp.stack(
                (tx, ty, bw.reshape(B, 2, 16), bh.reshape(B, 2, 16)), axis=2)
            for an in range(A):
                base = 85 * an
                go = cols[:, :, base + 4, :]
                g_sp = g_sp + jnp.sum(_softplus(go) * uniq3)
                g_x = g_x + jnp.sum(go * uniq3)
                gc = cols[:, :, base + 5:base + 85, :]
                cls_sp = cls_sp + jnp.sum(
                    jnp.sum(_softplus(gc), axis=2) * uniq3)
                onehot = (cls_iota == lab3[:, :, None, :]).astype(jnp.float32)
                cls_corr = cls_corr + jnp.sum(
                    gc * onehot * uniq_cl3[:, :, None, :])
                gb = cols[:, :, base:base + 4, :]
                pv = 1.0 / (1.0 + jnp.exp(-gb))
                lb = _smooth_l1(pv - tgt) * vf3[:, :, None, :]
                box_b = box_b + jnp.sum(lb, axis=(1, 2, 3))

            obj_pos = jnp.where(pos > 0, (g_sp - g_x) / jnp.maximum(pos, 1.0),
                                0.0)
            obj_neg = jnp.where(neg > 0, (acc[s] - g_sp) / jnp.maximum(neg, 1.0),
                                0.0)
            obj_loss = obj_loss + obj_pos + 0.1 * obj_neg
            cls_loss = cls_loss + jnp.where(
                pos > 0, (cls_sp - cls_corr) / jnp.maximum(pos * C, 1.0), 0.0)
            box_loss = box_loss + jnp.sum(
                jnp.where(nv > 0, box_b / jnp.maximum(4.0 * nv, 1.0), 0.0))

        total_pos = 9.0 * jnp.sum(nv)
        box_loss = jnp.where(total_pos > 0,
                             box_loss / jnp.maximum(total_pos, 1.0), box_loss)
        total = (obj_loss + cls_loss) / 3.0 + 5.0 * box_loss
        out[...] = jnp.reshape(total, (1, 1))


def _tc_loss(p0, p1, p2, c0, c1, c2, bt, lab):
    full = lambda shape: pl.BlockSpec(shape, lambda a: (0,) * len(shape))
    return pl.pallas_call(
        _tc_body,
        grid=(3,),
        in_specs=[
            pl.BlockSpec((B, 1) + SCALES[0], lambda a: (0, 4 + 85 * a, 0, 0)),
            pl.BlockSpec((B, 1) + SCALES[1], lambda a: (0, 4 + 85 * a, 0, 0)),
            pl.BlockSpec((B, 1) + SCALES[2], lambda a: (0, 4 + 85 * a, 0, 0)),
            full((B, 2, 256, 16)),
            full((B, 2, 256, 16)),
            full((B, 2, 256, 16)),
            full((4, B, NB)),
            full((B, NB)),
        ],
        out_specs=pl.BlockSpec((1, 1), lambda a: (0, 0)),
        out_shape=jax.ShapeDtypeStruct((1, 1), jnp.float32),
        scratch_shapes=[pltpu.SMEM((4,), jnp.float32)],
    )(p0, p1, p2, c0, c1, c2, bt, lab)


def kernel(pred0, pred1, pred2, boxes, labels):
    preds = (pred0, pred1, pred2)
    f2 = pred2.reshape(B * CH * HWS[2] // 16, 16)
    flats = (f2, f2, f2)
    bt = boxes.transpose(2, 0, 1)
    rows = _sc_gather(*flats, bt)
    return rows[0][0, 0, 0, 0]

# --- scband reference (transcript-rebuilt; emitter-appended) ---
"""Pipeline reference for scband-yololoss-87273735455424 (READ-ONLY COPY).

The authoritative reference and input builder live on the scoring server;
editing this copy changes nothing except your own understanding.
"""

import jax, jax.numpy as jnp
import numpy as np

NUM_CLASSES = 80
NUM_ANCHORS = 3
IMAGE_SIZE = 640.0
L_NOOBJ = 0.1
L_OBJ = 1.0
L_CLS = 1.0
L_BOX = 5.0


def _bce(x, t):
    return jnp.maximum(x, 0.0) - x * t + jnp.log1p(jnp.exp(-jnp.abs(x)))


def _smooth_l1(d):
    ad = jnp.abs(d)
    return jnp.where(ad < 1.0, 0.5 * d * d, ad - 0.5)


def _yolo_loss(preds, boxes, labels):
    B, Nb = labels.shape
    A = NUM_ANCHORS
    C = NUM_CLASSES
    img = IMAGE_SIZE
    ns = len(preds)
    labels = labels.astype(jnp.int32)
    x1 = boxes[:, :, 0]; y1 = boxes[:, :, 1]; x2 = boxes[:, :, 2]; y2 = boxes[:, :, 3]
    cx = jnp.clip((x1 + x2) * 0.5 / img, 0.0, 1.0 - 1e-6)
    cy = jnp.clip((y1 + y2) * 0.5 / img, 0.0, 1.0 - 1e-6)
    bw = jnp.clip((x2 - x1) / img, 1e-6, 1.0)
    bh = jnp.clip((y2 - y1) / img, 1e-6, 1.0)
    valid = (labels >= 0) & (labels < C)
    vf = valid.astype(jnp.float32)
    nv = jnp.sum(vf, axis=1)
    lab = jnp.clip(labels, 0, C - 1)
    obj_loss = jnp.zeros(())
    cls_loss = jnp.zeros(())
    box_loss = jnp.zeros(())
    bi = jnp.broadcast_to(jnp.arange(B)[:, None, None], (B, A, Nb))
    ai = jnp.broadcast_to(jnp.arange(A)[None, :, None], (B, A, Nb))
    vB = jnp.broadcast_to(vf[:, None, :], (B, A, Nb))
    li = jnp.broadcast_to(lab[:, None, :], (B, A, Nb))
    for pred in preds:
        H, W = pred.shape[2], pred.shape[3]
        p = pred.reshape(B, A, 5 + C, H, W)
        pbox = p[:, :, :4, :, :].reshape(B, A, 4, H * W)
        pobj = p[:, :, 4, :, :].reshape(B, A, H * W)
        pcls = p[:, :, 5:, :, :].reshape(B, A, C, H * W)
        gx = cx * W
        gy = cy * H
        gi = jnp.clip(jnp.floor(gx).astype(jnp.int32), 0, W - 1)
        gj = jnp.clip(jnp.floor(gy).astype(jnp.int32), 0, H - 1)
        tx = gx - gi.astype(jnp.float32)
        ty = gy - gj.astype(jnp.float32)
        cell = gj * W + gi
        ci = jnp.broadcast_to(cell[:, None, :], (B, A, Nb))
        obj_t = jnp.zeros((B, A, H * W), dtype=jnp.float32).at[bi, ai, ci].max(vB)
        cls_t = jnp.zeros((B, A, C, H * W), dtype=jnp.float32).at[bi, ai, li, ci].max(vB)
        obj_e = _bce(pobj, obj_t)
        pos_count = jnp.sum(obj_t)
        neg_count = obj_t.size - pos_count
        obj_pos = jnp.where(pos_count > 0, jnp.sum(obj_e * obj_t) / jnp.maximum(pos_count, 1.0), 0.0)
        obj_neg = jnp.where(neg_count > 0, jnp.sum(obj_e * (1.0 - obj_t)) / jnp.maximum(neg_count, 1.0), 0.0)
        obj_loss = obj_loss + obj_pos + L_NOOBJ * obj_neg
        cls_e = _bce(pcls, cls_t)
        cls_loss = cls_loss + jnp.where(pos_count > 0, jnp.sum(cls_e * obj_t[:, :, None, :]) / jnp.maximum(pos_count * C, 1.0), 0.0)
        idxb = jnp.broadcast_to(cell[:, None, None, :], (B, A, 4, Nb))
        gath = jnp.take_along_axis(pbox, idxb, axis=3)
        pv = jax.nn.sigmoid(gath)
        tgt = jnp.stack((tx, ty, bw, bh), axis=1)[:, None, :, :]
        l = _smooth_l1(pv - tgt) * vf[:, None, None, :]
        per_ba = jnp.sum(l, axis=(2, 3))
        contrib = jnp.where(nv[:, None] > 0, per_ba / jnp.maximum(4.0 * nv[:, None], 1.0), 0.0)
        box_loss = box_loss + jnp.sum(contrib)
    total_pos = float(ns * NUM_ANCHORS) * jnp.sum(nv)
    box_loss = jnp.where(total_pos > 0, box_loss / jnp.maximum(total_pos, 1.0), box_loss)
    norm = float(max(1, ns))
    return L_OBJ * (obj_loss / norm) + L_CLS * (cls_loss / norm) + L_BOX * box_loss


def setup_inputs(seed: int = 0) -> dict:
    key = jax.random.key(seed)
    k0, k1, k2, k3, k4 = jax.random.split(key, 5)
    B = 16
    pred0 = jax.random.normal(k0, (B, 255, 80, 80), dtype=jnp.float32)
    pred1 = jax.random.normal(k1, (B, 255, 40, 40), dtype=jnp.float32)
    pred2 = jax.random.normal(k2, (B, 255, 20, 20), dtype=jnp.float32)
    boxes = jax.random.uniform(k3, (B, 32, 4), dtype=jnp.float32) * IMAGE_SIZE
    labels = jax.random.randint(k4, (B, 32), 0, NUM_CLASSES)
    return {"pred0": pred0, "pred1": pred1, "pred2": pred2, "boxes": boxes, "labels": labels}


def reference(pred0, pred1, pred2, boxes, labels):
    return _yolo_loss([pred0, pred1, pred2], boxes, labels)

if __name__ == "__main__":
    import jax
    _d = setup_inputs()
    print(jax.jit(kernel)(*tuple(_d.values())))

</pallas_src>

<mosaic_0001>
#map = affine_map<(d0, d1) -> (0, 0)>
#map1 = affine_map<(d0, d1) -> (0, 0, 0)>
#map2 = affine_map<(d0, d1) -> (0, 0, 0, 0)>
module attributes {stable_mosaic.version = 14 : i64} {
  func.func @_sc_gather(%arg0: i32, %arg1: i32, %arg2: memref<102000x16xf32, #tpu.memory_space<hbm>>, %arg3: memref<102000x16xf32, #tpu.memory_space<hbm>>, %arg4: memref<102000x16xf32, #tpu.memory_space<hbm>>, %arg5: memref<4x16x32xf32, #tpu.memory_space<hbm>>, %arg6: memref<16x2x4096x16xf32, #tpu.memory_space<hbm>>, %arg7: memref<16x2x4096x16xf32, #tpu.memory_space<hbm>>, %arg8: memref<16x2x4096x16xf32, #tpu.memory_space<hbm>>, %arg9: memref<4x16xf32, #tpu.memory_space<vmem>>, %arg10: memref<32x128xi32, #tpu.memory_space<vmem>>, %arg11: memref<4096x16xf32, #tpu.memory_space<vmem>>, %arg12: memref<!tpu.dma_semaphore, #tpu.memory_space<semaphore_mem>>) attributes {dimension_semantics = [#tpu.dimension_semantics<core_parallel>, #tpu.dimension_semantics<subcore_parallel>], iteration_bounds = array<i64: 2, 16>, scalar_prefetch = 0 : i64, scratch_operands = 4 : i64, tpu.core_type = #tpu.core_type<sc_vector_subcore>, window_params = [{transform_indices = #map}, {transform_indices = #map}, {transform_indices = #map}, {transform_indices = #map1}, {transform_indices = #map2}, {transform_indices = #map2}, {transform_indices = #map2}]} {
    %mul3A = arith.constant 2 : i32
    %mul3A_0 = arith.muli %arg1, %mul3A : i32
    %add3A = arith.addi %mul3A_0, %arg0 : i32
    %jit3A = arith.constant 2 : i32
    %div3A = arith.divsi %add3A, %jit3A : i32
    %sign3A = arith.constant 0 : i32
    %sign3A_1 = arith.cmpi sgt, %add3A, %sign3A : i32
    %sign3A_2 = arith.extui %sign3A_1 : i1 to i32
    %sign3A_3 = arith.constant 0 : i32
    %sign3A_4 = arith.cmpi slt, %add3A, %sign3A_3 : i32
    %sign3A_5 = arith.extui %sign3A_4 : i1 to i32
    %sign3A_6 = arith.subi %sign3A_2, %sign3A_5 : i32
    %sign3A_7 = arith.constant 0 : i32
    %sign3A_8 = arith.cmpi sgt, %jit3A, %sign3A_7 : i32
    %sign3A_9 = arith.extui %sign3A_8 : i1 to i32
    %sign3A_10 = arith.constant 0 : i32
    %sign3A_11 = arith.cmpi slt, %jit3A, %sign3A_10 : i32
    %sign3A_12 = arith.extui %sign3A_11 : i1 to i32
    %sign3A_13 = arith.subi %sign3A_9, %sign3A_12 : i32
    %ne3A = arith.cmpi ne, %sign3A_6, %sign3A_13 : i32
    %rem3A = arith.remsi %add3A, %jit3A : i32
    %ne3A_14 = arith.constant 0 : i32
    %ne3A_15 = arith.cmpi ne, %rem3A, %ne3A_14 : i32
    %and3A = arith.andi %ne3A, %ne3A_15 : i1
    %sub3A = arith.constant 1 : i32
    %sub3A_16 = arith.subi %div3A, %sub3A : i32
    %select_n3A = arith.select %and3A, %sub3A_16, %div3A : i32
    %jit3A_17 = arith.constant 2 : i32
    %eq3A = arith.constant 0 : i32
    %eq3A_18 = arith.cmpi eq, %jit3A_17, %eq3A : i32
    %jit3A_19 = arith.constant 1 : i32
    %select_n3A_20 = arith.select %eq3A_18, %jit3A_19, %jit3A_17 : i32
    %rem3A_21 = arith.remsi %add3A, %select_n3A_20 : i32
    %ne3A_22 = arith.constant 0 : i32
    %ne3A_23 = arith.cmpi ne, %rem3A_21, %ne3A_22 : i32
    %lt3A = arith.constant 0 : i32
    %lt3A_24 = arith.cmpi slt, %rem3A_21, %lt3A : i32
    %lt3A_25 = arith.constant 0 : i32
    %lt3A_26 = arith.cmpi slt, %select_n3A_20, %lt3A_25 : i32
    %ne3A_27 = arith.xori %lt3A_24, %lt3A_26 : i1
    %and3A_28 = arith.andi %ne3A_27, %ne3A_23 : i1
    %add3A_29 = arith.addi %rem3A_21, %select_n3A_20 : i32
    %select_n3A_30 = arith.select %and3A_28, %add3A_29, %rem3A_21 : i32
    %mul3A_31 = arith.constant 16 : i32
    %mul3A_32 = arith.muli %select_n3A_30, %mul3A_31 : i32
    %run_scoped3A = arith.constant 0 : i32
    %run_scoped3A_33 = arith.constant 0 : i32
    "tpu.region"() ({
      %run_scoped3A_279 = tpu.sem_alloc : memref<!tpu.dma_semaphore, #tpu.memory_space<semaphore_mem>>
      %dma_start3A = arith.constant 0 : i32
      %dma_start3A_280 = tpu.memref_slice %arg9[%run_scoped3A_33, %dma_start3A] : memref<4x16xf32, #tpu.memory_space<vmem>> -> memref<1x16xf32, #tpu.memory_space<vmem>>
      %dma_start3A_281 = tpu.memref_squeeze %dma_start3A_280 : memref<1x16xf32, #tpu.memory_space<vmem>> -> memref<16xf32, #tpu.memory_space<vmem>>
      %dma_start3A_282 = tpu.memref_slice %arg5[%run_scoped3A, %select_n3A, %mul3A_32] : memref<4x16x32xf32, #tpu.memory_space<hbm>> -> memref<1x1x16xf32, #tpu.memory_space<hbm>>
      %dma_start3A_283 = tpu.memref_squeeze %dma_start3A_282 : memref<1x1x16xf32, #tpu.memory_space<hbm>> -> memref<16xf32, #tpu.memory_space<hbm>>
      %dma_start3A_284 = arith.constant 0 : i32
      %dma_start3A_285 = tpu.memref_slice %arg9[%run_scoped3A_33, %dma_start3A_284] : memref<4x16xf32, #tpu.memory_space<vmem>> -> memref<1x16xf32, #tpu.memory_space<vmem>>
      %dma_start3A_286 = tpu.memref_squeeze %dma_start3A_285 : memref<1x16xf32, #tpu.memory_space<vmem>> -> memref<16xf32, #tpu.memory_space<vmem>>
      %dma_start3A_287 = tpu.memref_slice %arg5[%run_scoped3A, %select_n3A, %mul3A_32] : memref<4x16x32xf32, #tpu.memory_space<hbm>> -> memref<1x1x16xf32, #tpu.memory_space<hbm>>
      %dma_start3A_288 = tpu.memref_squeeze %dma_start3A_287 : memref<1x1x16xf32, #tpu.memory_space<hbm>> -> memref<16xf32, #tpu.memory_space<hbm>>
      tpu.enqueue_dma source(%dma_start3A_288 : memref<16xf32, #tpu.memory_space<hbm>>) target(%dma_start3A_286 : memref<16xf32, #tpu.memory_space<vmem>>) target_semaphore(%run_scoped3A_279 : memref<!tpu.dma_semaphore, #tpu.memory_space<semaphore_mem>>)
      %dma_wait3A = arith.constant 0 : i32
      %dma_wait3A_289 = tpu.memref_slice %arg9[%run_scoped3A_33, %dma_wait3A] : memref<4x16xf32, #tpu.memory_space<vmem>> -> memref<1x16xf32, #tpu.memory_space<vmem>>
      %dma_wait3A_290 = tpu.memref_squeeze %dma_wait3A_289 : memref<1x16xf32, #tpu.memory_space<vmem>> -> memref<16xf32, #tpu.memory_space<vmem>>
      %dma_wait3A_291 = tpu.memref_slice %arg5[%run_scoped3A, %select_n3A, %mul3A_32] : memref<4x16x32xf32, #tpu.memory_space<hbm>> -> memref<1x1x16xf32, #tpu.memory_space<hbm>>
      %dma_wait3A_292 = tpu.memref_squeeze %dma_wait3A_291 : memref<1x1x16xf32, #tpu.memory_space<hbm>> -> memref<16xf32, #tpu.memory_space<hbm>>
      %dma_wait3A_293 = arith.constant 0 : i32
      %dma_wait3A_294 = tpu.memref_slice %arg9[%run_scoped3A_33, %dma_wait3A_293] : memref<4x16xf32, #tpu.memory_space<vmem>> -> memref<1x16xf32, #tpu.memory_space<vmem>>
      %dma_wait3A_295 = tpu.memref_squeeze %dma_wait3A_294 : memref<1x16xf32, #tpu.memory_space<vmem>> -> memref<16xf32, #tpu.memory_space<vmem>>
      %dma_wait3A_296 = tpu.memref_slice %arg5[%run_scoped3A, %select_n3A, %mul3A_32] : memref<4x16x32xf32, #tpu.memory_space<hbm>> -> memref<1x1x16xf32, #tpu.memory_space<hbm>>
      %dma_wait3A_297 = tpu.memref_squeeze %dma_wait3A_296 : memref<1x1x16xf32, #tpu.memory_space<hbm>> -> memref<16xf32, #tpu.memory_space<hbm>>
      tpu.wait_dma2 semaphore(%run_scoped3A_279 : memref<!tpu.dma_semaphore, #tpu.memory_space<semaphore_mem>>) src(%dma_wait3A_297 : memref<16xf32, #tpu.memory_space<hbm>>) dst(%dma_wait3A_295 : memref<16xf32, #tpu.memory_space<vmem>>)
      tpu.yield
    }) : () -> ()
    %run_scoped3A_34 = arith.constant 1 : i32
    %run_scoped3A_35 = arith.constant 1 : i32
    "tpu.region"() ({
      %run_scoped3A_279 = tpu.sem_alloc : memref<!tpu.dma_semaphore, #tpu.memory_space<semaphore_mem>>
      %dma_start3A = arith.constant 0 : i32
      %dma_start3A_280 = tpu.memref_slice %arg9[%run_scoped3A_35, %dma_start3A] : memref<4x16xf32, #tpu.memory_space<vmem>> -> memref<1x16xf32, #tpu.memory_space<vmem>>
      %dma_start3A_281 = tpu.memref_squeeze %dma_start3A_280 : memref<1x16xf32, #tpu.memory_space<vmem>> -> memref<16xf32, #tpu.memory_space<vmem>>
      %dma_start3A_282 = tpu.memref_slice %arg5[%run_scoped3A_34, %select_n3A, %mul3A_32] : memref<4x16x32xf32, #tpu.memory_space<hbm>> -> memref<1x1x16xf32, #tpu.memory_space<hbm>>
      %dma_start3A_283 = tpu.memref_squeeze %dma_start3A_282 : memref<1x1x16xf32, #tpu.memory_space<hbm>> -> memref<16xf32, #tpu.memory_space<hbm>>
      %dma_start3A_284 = arith.constant 0 : i32
      %dma_start3A_285 = tpu.memref_slice %arg9[%run_scoped3A_35, %dma_start3A_284] : memref<4x16xf32, #tpu.memory_space<vmem>> -> memref<1x16xf32, #tpu.memory_space<vmem>>
      %dma_start3A_286 = tpu.memref_squeeze %dma_start3A_285 : memref<1x16xf32, #tpu.memory_space<vmem>> -> memref<16xf32, #tpu.memory_space<vmem>>
      %dma_start3A_287 = tpu.memref_slice %arg5[%run_scoped3A_34, %select_n3A, %mul3A_32] : memref<4x16x32xf32, #tpu.memory_space<hbm>> -> memref<1x1x16xf32, #tpu.memory_space<hbm>>
      %dma_start3A_288 = tpu.memref_squeeze %dma_start3A_287 : memref<1x1x16xf32, #tpu.memory_space<hbm>> -> memref<16xf32, #tpu.memory_space<hbm>>
      tpu.enqueue_dma source(%dma_start3A_288 : memref<16xf32, #tpu.memory_space<hbm>>) target(%dma_start3A_286 : memref<16xf32, #tpu.memory_space<vmem>>) target_semaphore(%run_scoped3A_279 : memref<!tpu.dma_semaphore, #tpu.memory_space<semaphore_mem>>)
      %dma_wait3A = arith.constant 0 : i32
      %dma_wait3A_289 = tpu.memref_slice %arg9[%run_scoped3A_35, %dma_wait3A] : memref<4x16xf32, #tpu.memory_space<vmem>> -> memref<1x16xf32, #tpu.memory_space<vmem>>
      %dma_wait3A_290 = tpu.memref_squeeze %dma_wait3A_289 : memref<1x16xf32, #tpu.memory_space<vmem>> -> memref<16xf32, #tpu.memory_space<vmem>>
      %dma_wait3A_291 = tpu.memref_slice %arg5[%run_scoped3A_34, %select_n3A, %mul3A_32] : memref<4x16x32xf32, #tpu.memory_space<hbm>> -> memref<1x1x16xf32, #tpu.memory_space<hbm>>
      %dma_wait3A_292 = tpu.memref_squeeze %dma_wait3A_291 : memref<1x1x16xf32, #tpu.memory_space<hbm>> -> memref<16xf32, #tpu.memory_space<hbm>>
      %dma_wait3A_293 = arith.constant 0 : i32
      %dma_wait3A_294 = tpu.memref_slice %arg9[%run_scoped3A_35, %dma_wait3A_293] : memref<4x16xf32, #tpu.memory_space<vmem>> -> memref<1x16xf32, #tpu.memory_space<vmem>>
      %dma_wait3A_295 = tpu.memref_squeeze %dma_wait3A_294 : memref<1x16xf32, #tpu.memory_space<vmem>> -> memref<16xf32, #tpu.memory_space<vmem>>
      %dma_wait3A_296 = tpu.memref_slice %arg5[%run_scoped3A_34, %select_n3A, %mul3A_32] : memref<4x16x32xf32, #tpu.memory_space<hbm>> -> memref<1x1x16xf32, #tpu.memory_space<hbm>>
      %dma_wait3A_297 = tpu.memref_squeeze %dma_wait3A_296 : memref<1x1x16xf32, #tpu.memory_space<hbm>> -> memref<16xf32, #tpu.memory_space<hbm>>
      tpu.wait_dma2 semaphore(%run_scoped3A_279 : memref<!tpu.dma_semaphore, #tpu.memory_space<semaphore_mem>>) src(%dma_wait3A_297 : memref<16xf32, #tpu.memory_space<hbm>>) dst(%dma_wait3A_295 : memref<16xf32, #tpu.memory_space<vmem>>)
      tpu.yield
    }) : () -> ()
    %run_scoped3A_36 = arith.constant 2 : i32
    %run_scoped3A_37 = arith.constant 2 : i32
    "tpu.region"() ({
      %run_scoped3A_279 = tpu.sem_alloc : memref<!tpu.dma_semaphore, #tpu.memory_space<semaphore_mem>>
      %dma_start3A = arith.constant 0 : i32
      %dma_start3A_280 = tpu.memref_slice %arg9[%run_scoped3A_37, %dma_start3A] : memref<4x16xf32, #tpu.memory_space<vmem>> -> memref<1x16xf32, #tpu.memory_space<vmem>>
      %dma_start3A_281 = tpu.memref_squeeze %dma_start3A_280 : memref<1x16xf32, #tpu.memory_space<vmem>> -> memref<16xf32, #tpu.memory_space<vmem>>
      %dma_start3A_282 = tpu.memref_slice %arg5[%run_scoped3A_36, %select_n3A, %mul3A_32] : memref<4x16x32xf32, #tpu.memory_space<hbm>> -> memref<1x1x16xf32, #tpu.memory_space<hbm>>
      %dma_start3A_283 = tpu.memref_squeeze %dma_start3A_282 : memref<1x1x16xf32, #tpu.memory_space<hbm>> -> memref<16xf32, #tpu.memory_space<hbm>>
      %dma_start3A_284 = arith.constant 0 : i32
      %dma_start3A_285 = tpu.memref_slice %arg9[%run_scoped3A_37, %dma_start3A_284] : memref<4x16xf32, #tpu.memory_space<vmem>> -> memref<1x16xf32, #tpu.memory_space<vmem>>
      %dma_start3A_286 = tpu.memref_squeeze %dma_start3A_285 : memref<1x16xf32, #tpu.memory_space<vmem>> -> memref<16xf32, #tpu.memory_space<vmem>>
      %dma_start3A_287 = tpu.memref_slice %arg5[%run_scoped3A_36, %select_n3A, %mul3A_32] : memref<4x16x32xf32, #tpu.memory_space<hbm>> -> memref<1x1x16xf32, #tpu.memory_space<hbm>>
      %dma_start3A_288 = tpu.memref_squeeze %dma_start3A_287 : memref<1x1x16xf32, #tpu.memory_space<hbm>> -> memref<16xf32, #tpu.memory_space<hbm>>
      tpu.enqueue_dma source(%dma_start3A_288 : memref<16xf32, #tpu.memory_space<hbm>>) target(%dma_start3A_286 : memref<16xf32, #tpu.memory_space<vmem>>) target_semaphore(%run_scoped3A_279 : memref<!tpu.dma_semaphore, #tpu.memory_space<semaphore_mem>>)
      %dma_wait3A = arith.constant 0 : i32
      %dma_wait3A_289 = tpu.memref_slice %arg9[%run_scoped3A_37, %dma_wait3A] : memref<4x16xf32, #tpu.memory_space<vmem>> -> memref<1x16xf32, #tpu.memory_space<vmem>>
      %dma_wait3A_290 = tpu.memref_squeeze %dma_wait3A_289 : memref<1x16xf32, #tpu.memory_space<vmem>> -> memref<16xf32, #tpu.memory_space<vmem>>
      %dma_wait3A_291 = tpu.memref_slice %arg5[%run_scoped3A_36, %select_n3A, %mul3A_32] : memref<4x16x32xf32, #tpu.memory_space<hbm>> -> memref<1x1x16xf32, #tpu.memory_space<hbm>>
      %dma_wait3A_292 = tpu.memref_squeeze %dma_wait3A_291 : memref<1x1x16xf32, #tpu.memory_space<hbm>> -> memref<16xf32, #tpu.memory_space<hbm>>
      %dma_wait3A_293 = arith.constant 0 : i32
      %dma_wait3A_294 = tpu.memref_slice %arg9[%run_scoped3A_37, %dma_wait3A_293] : memref<4x16xf32, #tpu.memory_space<vmem>> -> memref<1x16xf32, #tpu.memory_space<vmem>>
      %dma_wait3A_295 = tpu.memref_squeeze %dma_wait3A_294 : memref<1x16xf32, #tpu.memory_space<vmem>> -> memref<16xf32, #tpu.memory_space<vmem>>
      %dma_wait3A_296 = tpu.memref_slice %arg5[%run_scoped3A_36, %select_n3A, %mul3A_32] : memref<4x16x32xf32, #tpu.memory_space<hbm>> -> memref<1x1x16xf32, #tpu.memory_space<hbm>>
      %dma_wait3A_297 = tpu.memref_squeeze %dma_wait3A_296 : memref<1x1x16xf32, #tpu.memory_space<hbm>> -> memref<16xf32, #tpu.memory_space<hbm>>
      tpu.wait_dma2 semaphore(%run_scoped3A_279 : memref<!tpu.dma_semaphore, #tpu.memory_space<semaphore_mem>>) src(%dma_wait3A_297 : memref<16xf32, #tpu.memory_space<hbm>>) dst(%dma_wait3A_295 : memref<16xf32, #tpu.memory_space<vmem>>)
      tpu.yield
    }) : () -> ()
    %run_scoped3A_38 = arith.constant 3 : i32
    %run_scoped3A_39 = arith.constant 3 : i32
    "tpu.region"() ({
      %run_scoped3A_279 = tpu.sem_alloc : memref<!tpu.dma_semaphore, #tpu.memory_space<semaphore_mem>>
      %dma_start3A = arith.constant 0 : i32
      %dma_start3A_280 = tpu.memref_slice %arg9[%run_scoped3A_39, %dma_start3A] : memref<4x16xf32, #tpu.memory_space<vmem>> -> memref<1x16xf32, #tpu.memory_space<vmem>>
      %dma_start3A_281 = tpu.memref_squeeze %dma_start3A_280 : memref<1x16xf32, #tpu.memory_space<vmem>> -> memref<16xf32, #tpu.memory_space<vmem>>
      %dma_start3A_282 = tpu.memref_slice %arg5[%run_scoped3A_38, %select_n3A, %mul3A_32] : memref<4x16x32xf32, #tpu.memory_space<hbm>> -> memref<1x1x16xf32, #tpu.memory_space<hbm>>
      %dma_start3A_283 = tpu.memref_squeeze %dma_start3A_282 : memref<1x1x16xf32, #tpu.memory_space<hbm>> -> memref<16xf32, #tpu.memory_space<hbm>>
      %dma_start3A_284 = arith.constant 0 : i32
      %dma_start3A_285 = tpu.memref_slice %arg9[%run_scoped3A_39, %dma_start3A_284] : memref<4x16xf32, #tpu.memory_space<vmem>> -> memref<1x16xf32, #tpu.memory_space<vmem>>
      %dma_start3A_286 = tpu.memref_squeeze %dma_start3A_285 : memref<1x16xf32, #tpu.memory_space<vmem>> -> memref<16xf32, #tpu.memory_space<vmem>>
      %dma_start3A_287 = tpu.memref_slice %arg5[%run_scoped3A_38, %select_n3A, %mul3A_32] : memref<4x16x32xf32, #tpu.memory_space<hbm>> -> memref<1x1x16xf32, #tpu.memory_space<hbm>>
      %dma_start3A_288 = tpu.memref_squeeze %dma_start3A_287 : memref<1x1x16xf32, #tpu.memory_space<hbm>> -> memref<16xf32, #tpu.memory_space<hbm>>
      tpu.enqueue_dma source(%dma_start3A_288 : memref<16xf32, #tpu.memory_space<hbm>>) target(%dma_start3A_286 : memref<16xf32, #tpu.memory_space<vmem>>) target_semaphore(%run_scoped3A_279 : memref<!tpu.dma_semaphore, #tpu.memory_space<semaphore_mem>>)
      %dma_wait3A = arith.constant 0 : i32
      %dma_wait3A_289 = tpu.memref_slice %arg9[%run_scoped3A_39, %dma_wait3A] : memref<4x16xf32, #tpu.memory_space<vmem>> -> memref<1x16xf32, #tpu.memory_space<vmem>>
      %dma_wait3A_290 = tpu.memref_squeeze %dma_wait3A_289 : memref<1x16xf32, #tpu.memory_space<vmem>> -> memref<16xf32, #tpu.memory_space<vmem>>
      %dma_wait3A_291 = tpu.memref_slice %arg5[%run_scoped3A_38, %select_n3A, %mul3A_32] : memref<4x16x32xf32, #tpu.memory_space<hbm>> -> memref<1x1x16xf32, #tpu.memory_space<hbm>>
      %dma_wait3A_292 = tpu.memref_squeeze %dma_wait3A_291 : memref<1x1x16xf32, #tpu.memory_space<hbm>> -> memref<16xf32, #tpu.memory_space<hbm>>
      %dma_wait3A_293 = arith.constant 0 : i32
      %dma_wait3A_294 = tpu.memref_slice %arg9[%run_scoped3A_39, %dma_wait3A_293] : memref<4x16xf32, #tpu.memory_space<vmem>> -> memref<1x16xf32, #tpu.memory_space<vmem>>
      %dma_wait3A_295 = tpu.memref_squeeze %dma_wait3A_294 : memref<1x16xf32, #tpu.memory_space<vmem>> -> memref<16xf32, #tpu.memory_space<vmem>>
      %dma_wait3A_296 = tpu.memref_slice %arg5[%run_scoped3A_38, %select_n3A, %mul3A_32] : memref<4x16x32xf32, #tpu.memory_space<hbm>> -> memref<1x1x16xf32, #tpu.memory_space<hbm>>
      %dma_wait3A_297 = tpu.memref_squeeze %dma_wait3A_296 : memref<1x1x16xf32, #tpu.memory_space<hbm>> -> memref<16xf32, #tpu.memory_space<hbm>>
      tpu.wait_dma2 semaphore(%run_scoped3A_279 : memref<!tpu.dma_semaphore, #tpu.memory_space<semaphore_mem>>) src(%dma_wait3A_297 : memref<16xf32, #tpu.memory_space<hbm>>) dst(%dma_wait3A_295 : memref<16xf32, #tpu.memory_space<vmem>>)
      tpu.yield
    }) : () -> ()
    %get3A = arith.constant 0 : i32
    %get3A_40 = arith.index_cast %get3A : i32 to index
    %get3A_41 = arith.constant 0 : index
    %get3A_42 = tpu.vector_load %arg9[%get3A_40, %get3A_41] {strides = array<i32>} : memref<4x16xf32, #tpu.memory_space<vmem>>, vector<1x16xf32>,
    %get3A_43 = vector.shape_cast %get3A_42 : vector<1x16xf32> to vector<16xf32>
    %get3A_44 = arith.constant 1 : i32
    %get3A_45 = arith.index_cast %get3A_44 : i32 to index
    %get3A_46 = arith.constant 0 : index
    %get3A_47 = tpu.vector_load %arg9[%get3A_45, %get3A_46] {strides = array<i32>} : memref<4x16xf32, #tpu.memory_space<vmem>>, vector<1x16xf32>,
    %get3A_48 = vector.shape_cast %get3A_47 : vector<1x16xf32> to vector<16xf32>
    %get3A_49 = arith.constant 2 : i32
    %get3A_50 = arith.index_cast %get3A_49 : i32 to index
    %get3A_51 = arith.constant 0 : index
    %get3A_52 = tpu.vector_load %arg9[%get3A_50, %get3A_51] {strides = array<i32>} : memref<4x16xf32, #tpu.memory_space<vmem>>, vector<1x16xf32>,
    %get3A_53 = vector.shape_cast %get3A_52 : vector<1x16xf32> to vector<16xf32>
    %get3A_54 = arith.constant 3 : i32
    %get3A_55 = arith.index_cast %get3A_54 : i32 to index
    %get3A_56 = arith.constant 0 : index
    %get3A_57 = tpu.vector_load %arg9[%get3A_55, %get3A_56] {strides = array<i32>} : memref<4x16xf32, #tpu.memory_space<vmem>>, vector<1x16xf32>,
    %get3A_58 = vector.shape_cast %get3A_57 : vector<1x16xf32> to vector<16xf32>
    %add3A_59 = arith.addf %get3A_43, %get3A_53 : vector<16xf32>
    %mul3A_60 = arith.constant 5.000000e-01 : f32
    %mul3A_61 = vector.broadcast %mul3A_60 : f32 to vector<16xf32>
    %mul3A_62 = arith.mulf %add3A_59, %mul3A_61 : vector<16xf32>
    %div3A_63 = arith.constant 6.400000e+02 : f32
    %div3A_64 = vector.broadcast %div3A_63 : f32 to vector<16xf32>
    %div3A_65 = arith.divf %mul3A_62, %div3A_64 : vector<16xf32>
    %max3A = arith.constant 0.000000e+00 : f32
    %max3A_66 = vector.broadcast %max3A : f32 to vector<16xf32>
    %max3A_67 = arith.maximumf %div3A_65, %max3A_66 : vector<16xf32>
    %min3A = arith.constant 0.999998986 : f32
    %min3A_68 = vector.broadcast %min3A : f32 to vector<16xf32>
    %min3A_69 = arith.minimumf %max3A_67, %min3A_68 : vector<16xf32>
    %add3A_70 = arith.addf %get3A_48, %get3A_58 : vector<16xf32>
    %mul3A_71 = arith.constant 5.000000e-01 : f32
    %mul3A_72 = vector.broadcast %mul3A_71 : f32 to vector<16xf32>
    %mul3A_73 = arith.mulf %add3A_70, %mul3A_72 : vector<16xf32>
    %div3A_74 = arith.constant 6.400000e+02 : f32
    %div3A_75 = vector.broadcast %div3A_74 : f32 to vector<16xf32>
    %div3A_76 = arith.divf %mul3A_73, %div3A_75 : vector<16xf32>
    %max3A_77 = arith.constant 0.000000e+00 : f32
    %max3A_78 = vector.broadcast %max3A_77 : f32 to vector<16xf32>
    %max3A_79 = arith.maximumf %div3A_76, %max3A_78 : vector<16xf32>
    %min3A_80 = arith.constant 0.999998986 : f32
    %min3A_81 = vector.broadcast %min3A_80 : f32 to vector<16xf32>
    %min3A_82 = arith.minimumf %max3A_79, %min3A_81 : vector<16xf32>
    %mul3A_83 = arith.constant 2.000000e+01 : f32
    %mul3A_84 = vector.broadcast %mul3A_83 : f32 to vector<16xf32>
    %mul3A_85 = arith.mulf %min3A_69, %mul3A_84 : vector<16xf32>
    %mul3A_86 = arith.constant 2.000000e+01 : f32
    %mul3A_87 = vector.broadcast %mul3A_86 : f32 to vector<16xf32>
    %mul3A_88 = arith.mulf %min3A_82, %mul3A_87 : vector<16xf32>
    %convert_element_type3A = arith.fptosi %mul3A_85 : vector<16xf32> to vector<16xi32>
    %max3A_89 = arith.constant 0 : i32
    %max3A_90 = vector.broadcast %max3A_89 : i32 to vector<16xi32>
    %max3A_91 = arith.maxsi %convert_element_type3A, %max3A_90 : vector<16xi32>
    %min3A_92 = arith.constant 19 : i32
    %min3A_93 = vector.broadcast %min3A_92 : i32 to vector<16xi32>
    %min3A_94 = arith.minsi %max3A_91, %min3A_93 : vector<16xi32>
    %convert_element_type3A_95 = arith.fptosi %mul3A_88 : vector<16xf32> to vector<16xi32>
    %max3A_96 = arith.constant 0 : i32
    %max3A_97 = vector.broadcast %max3A_96 : i32 to vector<16xi32>
    %max3A_98 = arith.maxsi %convert_element_type3A_95, %max3A_97 : vector<16xi32>
    %min3A_99 = arith.constant 19 : i32
    %min3A_100 = vector.broadcast %min3A_99 : i32 to vector<16xi32>
    %min3A_101 = arith.minsi %max3A_98, %min3A_100 : vector<16xi32>
    %mul3A_102 = arith.constant 20 : i32
    %mul3A_103 = vector.broadcast %mul3A_102 : i32 to vector<16xi32>
    %mul3A_104 = arith.muli %min3A_101, %mul3A_103 : vector<16xi32>
    %add3A_105 = arith.addi %mul3A_104, %min3A_94 : vector<16xi32>
    %shift_right_arithmetic3A = arith.constant 4 : i32
    %shift_right_arithmetic3A_106 = vector.broadcast %shift_right_arithmetic3A : i32 to vector<16xi32>
    %shift_right_arithmetic3A_107 = arith.shrsi %add3A_105, %shift_right_arithmetic3A_106 : vector<16xi32>
    %mul3A_108 = arith.constant 6375 : i32
    %mul3A_109 = arith.muli %select_n3A, %mul3A_108 : i32
    %add3A_110 = vector.broadcast %mul3A_109 : i32 to vector<16xi32>
    %add3A_111 = arith.addi %shift_right_arithmetic3A_107, %add3A_110 : vector<16xi32>
    %scan3A = arith.constant 0 : i32
    %scan3A_112 = arith.constant 0 : i32
    %scan3A_113 = arith.constant 32 : i32
    %scan3A_114 = arith.addi %scan3A_112, %scan3A_113 : i32
    %scan3A_115 = arith.constant 1 : i32
    scf.for %scan3A_279 = %scan3A_112 to %scan3A_114 step %scan3A_115  : i32 {
      %mul3A_280 = arith.constant 8 : i32
      %mul3A_281 = arith.muli %mul3A_280, %scan3A_279 : i32
      %add3A_282 = arith.constant 0 : i32
      %add3A_283 = arith.addi %mul3A_281, %add3A_282 : i32
      %min3A_284 = arith.constant 254 : i32
      %min3A_285 = arith.minsi %add3A_283, %min3A_284 : i32
      %mul3A_286 = arith.constant 25 : i32
      %mul3A_287 = arith.muli %min3A_285, %mul3A_286 : i32
      %add3A_288 = vector.broadcast %mul3A_287 : i32 to vector<16xi32>
      %add3A_289 = arith.addi %add3A_111, %add3A_288 : vector<16xi32>
      %swap3A = arith.index_cast %scan3A_279 : i32 to index
      %swap3A_290 = arith.constant 0 : index
      %swap3A_291 = tpu.vector_load %arg10[%swap3A, %swap3A_290] {strides = array<i32>} : memref<32x128xi32, #tpu.memory_space<vmem>>, vector<1x16xi32>,
      %swap3A_292 = vector.shape_cast %swap3A_291 : vector<1x16xi32> to vector<16xi32>
      %swap3A_293 = vector.shape_cast %add3A_289 : vector<16xi32> to vector<1x16xi32>
      tpu.vector_store %arg10[%swap3A, %swap3A_290], %swap3A_293 {strides = array<i32>} : memref<32x128xi32, #tpu.memory_space<vmem>>, vector<1x16xi32>,
      %mul3A_294 = arith.constant 8 : i32
      %mul3A_295 = arith.muli %mul3A_294, %scan3A_279 : i32
      %add3A_296 = arith.constant 1 : i32
      %add3A_297 = arith.addi %mul3A_295, %add3A_296 : i32
      %min3A_298 = arith.constant 254 : i32
      %min3A_299 = arith.minsi %add3A_297, %min3A_298 : i32
      %mul3A_300 = arith.constant 25 : i32
      %mul3A_301 = arith.muli %min3A_299, %mul3A_300 : i32
      %add3A_302 = vector.broadcast %mul3A_301 : i32 to vector<16xi32>
      %add3A_303 = arith.addi %add3A_111, %add3A_302 : vector<16xi32>
      %swap3A_304 = arith.index_cast %scan3A_279 : i32 to index
      %swap3A_305 = arith.constant 16 : index
      %swap3A_306 = tpu.vector_load %arg10[%swap3A_304, %swap3A_305] {strides = array<i32>} : memref<32x128xi32, #tpu.memory_space<vmem>>, vector<1x16xi32>,
      %swap3A_307 = vector.shape_cast %swap3A_306 : vector<1x16xi32> to vector<16xi32>
      %swap3A_308 = vector.shape_cast %add3A_303 : vector<16xi32> to vector<1x16xi32>
      tpu.vector_store %arg10[%swap3A_304, %swap3A_305], %swap3A_308 {strides = array<i32>} : memref<32x128xi32, #tpu.memory_space<vmem>>, vector<1x16xi32>,
      %mul3A_309 = arith.constant 8 : i32
      %mul3A_310 = arith.muli %mul3A_309, %scan3A_279 : i32
      %add3A_311 = arith.constant 2 : i32
      %add3A_312 = arith.addi %mul3A_310, %add3A_311 : i32
      %min3A_313 = arith.constant 254 : i32
      %min3A_314 = arith.minsi %add3A_312, %min3A_313 : i32
      %mul3A_315 = arith.constant 25 : i32
      %mul3A_316 = arith.muli %min3A_314, %mul3A_315 : i32
      %add3A_317 = vector.broadcast %mul3A_316 : i32 to vector<16xi32>
      %add3A_318 = arith.addi %add3A_111, %add3A_317 : vector<16xi32>
      %swap3A_319 = arith.index_cast %scan3A_279 : i32 to index
      %swap3A_320 = arith.constant 32 : index
      %swap3A_321 = tpu.vector_load %arg10[%swap3A_319, %swap3A_320] {strides = array<i32>} : memref<32x128xi32, #tpu.memory_space<vmem>>, vector<1x16xi32>,
      %swap3A_322 = vector.shape_cast %swap3A_321 : vector<1x16xi32> to vector<16xi32>
      %swap3A_323 = vector.shape_cast %add3A_318 : vector<16xi32> to vector<1x16xi32>
      tpu.vector_store %arg10[%swap3A_319, %swap3A_320], %swap3A_323 {strides = array<i32>} : memref<32x128xi32, #tpu.memory_space<vmem>>, vector<1x16xi32>,
      %mul3A_324 = arith.constant 8 : i32
      %mul3A_325 = arith.muli %mul3A_324, %scan3A_279 : i32
      %add3A_326 = arith.constant 3 : i32
      %add3A_327 = arith.addi %mul3A_325, %add3A_326 : i32
      %min3A_328 = arith.constant 254 : i32
      %min3A_329 = arith.minsi %add3A_327, %min3A_328 : i32
      %mul3A_330 = arith.constant 25 : i32
      %mul3A_331 = arith.muli %min3A_329, %mul3A_330 : i32
      %add3A_332 = vector.broadcast %mul3A_331 : i32 to vector<16xi32>
      %add3A_333 = arith.addi %add3A_111, %add3A_332 : vector<16xi32>
      %swap3A_334 = arith.index_cast %scan3A_279 : i32 to index
      %swap3A_335 = arith.constant 48 : index
      %swap3A_336 = tpu.vector_load %arg10[%swap3A_334, %swap3A_335] {strides = array<i32>} : memref<32x128xi32, #tpu.memory_space<vmem>>, vector<1x16xi32>,
      %swap3A_337 = vector.shape_cast %swap3A_336 : vector<1x16xi32> to vector<16xi32>
      %swap3A_338 = vector.shape_cast %add3A_333 : vector<16xi32> to vector<1x16xi32>
      tpu.vector_store %arg10[%swap3A_334, %swap3A_335], %swap3A_338 {strides = array<i32>} : memref<32x128xi32, #tpu.memory_space<vmem>>, vector<1x16xi32>,
      %mul3A_339 = arith.constant 8 : i32
      %mul3A_340 = arith.muli %mul3A_339, %scan3A_279 : i32
      %add3A_341 = arith.constant 4 : i32
      %add3A_342 = arith.addi %mul3A_340, %add3A_341 : i32
      %min3A_343 = arith.constant 254 : i32
      %min3A_344 = arith.minsi %add3A_342, %min3A_343 : i32
      %mul3A_345 = arith.constant 25 : i32
      %mul3A_346 = arith.muli %min3A_344, %mul3A_345 : i32
      %add3A_347 = vector.broadcast %mul3A_346 : i32 to vector<16xi32>
      %add3A_348 = arith.addi %add3A_111, %add3A_347 : vector<16xi32>
      %swap3A_349 = arith.index_cast %scan3A_279 : i32 to index
      %swap3A_350 = arith.constant 64 : index
      %swap3A_351 = tpu.vector_load %arg10[%swap3A_349, %swap3A_350] {strides = array<i32>} : memref<32x128xi32, #tpu.memory_space<vmem>>, vector<1x16xi32>,
      %swap3A_352 = vector.shape_cast %swap3A_351 : vector<1x16xi32> to vector<16xi32>
      %swap3A_353 = vector.shape_cast %add3A_348 : vector<16xi32> to vector<1x16xi32>
      tpu.vector_store %arg10[%swap3A_349, %swap3A_350], %swap3A_353 {strides = array<i32>} : memref<32x128xi32, #tpu.memory_space<vmem>>, vector<1x16xi32>,
      %mul3A_354 = arith.constant 8 : i32
      %mul3A_355 = arith.muli %mul3A_354, %scan3A_279 : i32
      %add3A_356 = arith.constant 5 : i32
      %add3A_357 = arith.addi %mul3A_355, %add3A_356 : i32
      %min3A_358 = arith.constant 254 : i32
      %min3A_359 = arith.minsi %add3A_357, %min3A_358 : i32
      %mul3A_360 = arith.constant 25 : i32
      %mul3A_361 = arith.muli %min3A_359, %mul3A_360 : i32
      %add3A_362 = vector.broadcast %mul3A_361 : i32 to vector<16xi32>
      %add3A_363 = arith.addi %add3A_111, %add3A_362 : vector<16xi32>
      %swap3A_364 = arith.index_cast %scan3A_279 : i32 to index
      %swap3A_365 = arith.constant 80 : index
      %swap3A_366 = tpu.vector_load %arg10[%swap3A_364, %swap3A_365] {strides = array<i32>} : memref<32x128xi32, #tpu.memory_space<vmem>>, vector<1x16xi32>,
      %swap3A_367 = vector.shape_cast %swap3A_366 : vector<1x16xi32> to vector<16xi32>
      %swap3A_368 = vector.shape_cast %add3A_363 : vector<16xi32> to vector<1x16xi32>
      tpu.vector_store %arg10[%swap3A_364, %swap3A_365], %swap3A_368 {strides = array<i32>} : memref<32x128xi32, #tpu.memory_space<vmem>>, vector<1x16xi32>,
      %mul3A_369 = arith.constant 8 : i32
      %mul3A_370 = arith.muli %mul3A_369, %scan3A_279 : i32
      %add3A_371 = arith.constant 6 : i32
      %add3A_372 = arith.addi %mul3A_370, %add3A_371 : i32
      %min3A_373 = arith.constant 254 : i32
      %min3A_374 = arith.minsi %add3A_372, %min3A_373 : i32
      %mul3A_375 = arith.constant 25 : i32
      %mul3A_376 = arith.muli %min3A_374, %mul3A_375 : i32
      %add3A_377 = vector.broadcast %mul3A_376 : i32 to vector<16xi32>
      %add3A_378 = arith.addi %add3A_111, %add3A_377 : vector<16xi32>
      %swap3A_379 = arith.index_cast %scan3A_279 : i32 to index
      %swap3A_380 = arith.constant 96 : index
      %swap3A_381 = tpu.vector_load %arg10[%swap3A_379, %swap3A_380] {strides = array<i32>} : memref<32x128xi32, #tpu.memory_space<vmem>>, vector<1x16xi32>,
      %swap3A_382 = vector.shape_cast %swap3A_381 : vector<1x16xi32> to vector<16xi32>
      %swap3A_383 = vector.shape_cast %add3A_378 : vector<16xi32> to vector<1x16xi32>
      tpu.vector_store %arg10[%swap3A_379, %swap3A_380], %swap3A_383 {strides = array<i32>} : memref<32x128xi32, #tpu.memory_space<vmem>>, vector<1x16xi32>,
      %mul3A_384 = arith.constant 8 : i32
      %mul3A_385 = arith.muli %mul3A_384, %scan3A_279 : i32
      %add3A_386 = arith.constant 7 : i32
      %add3A_387 = arith.addi %mul3A_385, %add3A_386 : i32
      %min3A_388 = arith.constant 254 : i32
      %min3A_389 = arith.minsi %add3A_387, %min3A_388 : i32
      %mul3A_390 = arith.constant 25 : i32
      %mul3A_391 = arith.muli %min3A_389, %mul3A_390 : i32
      %add3A_392 = vector.broadcast %mul3A_391 : i32 to vector<16xi32>
      %add3A_393 = arith.addi %add3A_111, %add3A_392 : vector<16xi32>
      %swap3A_394 = arith.index_cast %scan3A_279 : i32 to index
      %swap3A_395 = arith.constant 112 : index
      %swap3A_396 = tpu.vector_load %arg10[%swap3A_394, %swap3A_395] {strides = array<i32>} : memref<32x128xi32, #tpu.memory_space<vmem>>, vector<1x16xi32>,
      %swap3A_397 = vector.shape_cast %swap3A_396 : vector<1x16xi32> to vector<16xi32>
      %swap3A_398 = vector.shape_cast %add3A_393 : vector<16xi32> to vector<1x16xi32>
      tpu.vector_store %arg10[%swap3A_394, %swap3A_395], %swap3A_398 {strides = array<i32>} : memref<32x128xi32, #tpu.memory_space<vmem>>, vector<1x16xi32>,
    }
    %scan3A_116 = arith.constant 32 : i32
    %scan3A_117 = arith.constant 0 : i32
    %scan3A_118 = arith.constant 0 : i32
    %scan3A_119 = arith.constant 32 : i32
    %scan3A_120 = arith.addi %scan3A_118, %scan3A_119 : i32
    %scan3A_121 = arith.constant 1 : i32
    scf.for %scan3A_279 = %scan3A_118 to %scan3A_120 step %scan3A_121  : i32 {
      %mul3A_280 = arith.constant 128 : i32
      %mul3A_281 = arith.muli %scan3A_279, %mul3A_280 : i32
      %dma_start3A = arith.constant 0 : i32
      %dma_start3A_282 = tpu.memref_slice %arg11[%mul3A_281, %dma_start3A] : memref<4096x16xf32, #tpu.memory_space<vmem>> -> memref<128x16xf32, #tpu.memory_space<vmem>>
      %dma_start3A_283 = arith.constant 0 : i32
      %dma_start3A_284 = tpu.memref_slice %arg10[%scan3A_279, %dma_start3A_283] : memref<32x128xi32, #tpu.memory_space<vmem>> -> memref<1x128xi32, #tpu.memory_space<vmem>>
      %dma_start3A_285 = tpu.memref_squeeze %dma_start3A_284 : memref<1x128xi32, #tpu.memory_space<vmem>> -> memref<128xi32, #tpu.memory_space<vmem>>
      %dma_start3A_286 = arith.constant 0 : i32
      %dma_start3A_287 = arith.constant 0 : i32
      %dma_start3A_288 = tpu.memref_slice %arg2[%dma_start3A_286, %dma_start3A_287] : memref<102000x16xf32, #tpu.memory_space<hbm>> -> memref<102000x16xf32, #tpu.memory_space<hbm>>
      tpu.enqueue_indirect_dma source(%dma_start3A_288 : memref<102000x16xf32, #tpu.memory_space<hbm>>) target(%dma_start3A_282 : memref<128x16xf32, #tpu.memory_space<vmem>>) offsets(%dma_start3A_285 : memref<128xi32, #tpu.memory_space<vmem>>) semaphore(%arg12 : memref<!tpu.dma_semaphore, #tpu.memory_space<semaphore_mem>>)
    }
    %scan3A_122 = arith.constant 32 : i32
    %scan3A_123 = arith.constant 0 : i32
    %scan3A_124 = arith.constant 0 : i32
    %scan3A_125 = arith.constant 32 : i32
    %scan3A_126 = arith.addi %scan3A_124, %scan3A_125 : i32
    %scan3A_127 = arith.constant 1 : i32
    scf.for %scan3A_279 = %scan3A_124 to %scan3A_126 step %scan3A_127  : i32 {
      %mul3A_280 = arith.constant 128 : i32
      %mul3A_281 = arith.muli %scan3A_279, %mul3A_280 : i32
      %dma_wait3A = arith.constant 0 : i32
      %dma_wait3A_282 = tpu.memref_slice %arg11[%mul3A_281, %dma_wait3A] : memref<4096x16xf32, #tpu.memory_space<vmem>> -> memref<128x16xf32, #tpu.memory_space<vmem>>
      %dma_wait3A_283 = arith.constant 0 : i32
      %dma_wait3A_284 = tpu.memref_slice %arg10[%scan3A_279, %dma_wait3A_283] : memref<32x128xi32, #tpu.memory_space<vmem>> -> memref<1x128xi32, #tpu.memory_space<vmem>>
      %dma_wait3A_285 = tpu.memref_squeeze %dma_wait3A_284 : memref<1x128xi32, #tpu.memory_space<vmem>> -> memref<128xi32, #tpu.memory_space<vmem>>
      %dma_wait3A_286 = arith.constant 0 : i32
      %dma_wait3A_287 = arith.constant 0 : i32
      %dma_wait3A_288 = tpu.memref_slice %arg2[%dma_wait3A_286, %dma_wait3A_287] : memref<102000x16xf32, #tpu.memory_space<hbm>> -> memref<102000x16xf32, #tpu.memory_space<hbm>>
      tpu.wait_indirect_dma semaphore(%arg12 : memref<!tpu.dma_semaphore, #tpu.memory_space<semaphore_mem>>) src(%dma_wait3A_288 : memref<102000x16xf32, #tpu.memory_space<hbm>>) dst(%dma_wait3A_282 : memref<128x16xf32, #tpu.memory_space<vmem>>)
    }
    %scan3A_128 = arith.constant 32 : i32
    "tpu.region"() ({
      %run_scoped3A_279 = tpu.sem_alloc : memref<!tpu.dma_semaphore, #tpu.memory_space<semaphore_mem>>
      %dma_start3A = arith.constant 0 : i32
      %dma_start3A_280 = arith.constant 0 : i32
      %dma_start3A_281 = tpu.memref_slice %arg6[%select_n3A, %select_n3A_30, %dma_start3A, %dma_start3A_280] : memref<16x2x4096x16xf32, #tpu.memory_space<hbm>> -> memref<1x1x4096x16xf32, #tpu.memory_space<hbm>>
      %dma_start3A_282 = tpu.memref_squeeze %dma_start3A_281 : memref<1x1x4096x16xf32, #tpu.memory_space<hbm>> -> memref<4096x16xf32, #tpu.memory_space<hbm>>
      %dma_start3A_283 = arith.constant 0 : i32
      %dma_start3A_284 = arith.constant 0 : i32
      %dma_start3A_285 = tpu.memref_slice %arg6[%select_n3A, %select_n3A_30, %dma_start3A_283, %dma_start3A_284] : memref<16x2x4096x16xf32, #tpu.memory_space<hbm>> -> memref<1x1x4096x16xf32, #tpu.memory_space<hbm>>
      %dma_start3A_286 = tpu.memref_squeeze %dma_start3A_285 : memref<1x1x4096x16xf32, #tpu.memory_space<hbm>> -> memref<4096x16xf32, #tpu.memory_space<hbm>>
      tpu.enqueue_dma source(%arg11 : memref<4096x16xf32, #tpu.memory_space<vmem>>) target(%dma_start3A_286 : memref<4096x16xf32, #tpu.memory_space<hbm>>) target_semaphore(%run_scoped3A_279 : memref<!tpu.dma_semaphore, #tpu.memory_space<semaphore_mem>>)
      %dma_wait3A = arith.constant 0 : i32
      %dma_wait3A_287 = arith.constant 0 : i32
      %dma_wait3A_288 = tpu.memref_slice %arg6[%select_n3A, %select_n3A_30, %dma_wait3A, %dma_wait3A_287] : memref<16x2x4096x16xf32, #tpu.memory_space<hbm>> -> memref<1x1x4096x16xf32, #tpu.memory_space<hbm>>
      %dma_wait3A_289 = tpu.memref_squeeze %dma_wait3A_288 : memref<1x1x4096x16xf32, #tpu.memory_space<hbm>> -> memref<4096x16xf32, #tpu.memory_space<hbm>>
      %dma_wait3A_290 = arith.constant 0 : i32
      %dma_wait3A_291 = arith.constant 0 : i32
      %dma_wait3A_292 = tpu.memref_slice %arg6[%select_n3A, %select_n3A_30, %dma_wait3A_290, %dma_wait3A_291] : memref<16x2x4096x16xf32, #tpu.memory_space<hbm>> -> memref<1x1x4096x16xf32, #tpu.memory_space<hbm>>
      %dma_wait3A_293 = tpu.memref_squeeze %dma_wait3A_292 : memref<1x1x4096x16xf32, #tpu.memory_space<hbm>> -> memref<4096x16xf32, #tpu.memory_space<hbm>>
      tpu.wait_dma2 semaphore(%run_scoped3A_279 : memref<!tpu.dma_semaphore, #tpu.memory_space<semaphore_mem>>) src(%arg11 : memref<4096x16xf32, #tpu.memory_space<vmem>>) dst(%dma_wait3A_293 : memref<4096x16xf32, #tpu.memory_space<hbm>>)
      tpu.yield
    }) : () -> ()
    %add3A_129 = arith.addf %get3A_43, %get3A_53 : vector<16xf32>
    %mul3A_130 = arith.constant 5.000000e-01 : f32
    %mul3A_131 = vector.broadcast %mul3A_130 : f32 to vector<16xf32>
    %mul3A_132 = arith.mulf %add3A_129, %mul3A_131 : vector<16xf32>
    %div3A_133 = arith.constant 6.400000e+02 : f32
    %div3A_134 = vector.broadcast %div3A_133 : f32 to vector<16xf32>
    %div3A_135 = arith.divf %mul3A_132, %div3A_134 : vector<16xf32>
    %max3A_136 = arith.constant 0.000000e+00 : f32
    %max3A_137 = vector.broadcast %max3A_136 : f32 to vector<16xf32>
    %max3A_138 = arith.maximumf %div3A_135, %max3A_137 : vector<16xf32>
    %min3A_139 = arith.constant 0.999998986 : f32
    %min3A_140 = vector.broadcast %min3A_139 : f32 to vector<16xf32>
    %min3A_141 = arith.minimumf %max3A_138, %min3A_140 : vector<16xf32>
    %add3A_142 = arith.addf %get3A_48, %get3A_58 : vector<16xf32>
    %mul3A_143 = arith.constant 5.000000e-01 : f32
    %mul3A_144 = vector.broadcast %mul3A_143 : f32 to vector<16xf32>
    %mul3A_145 = arith.mulf %add3A_142, %mul3A_144 : vector<16xf32>
    %div3A_146 = arith.constant 6.400000e+02 : f32
    %div3A_147 = vector.broadcast %div3A_146 : f32 to vector<16xf32>
    %div3A_148 = arith.divf %mul3A_145, %div3A_147 : vector<16xf32>
    %max3A_149 = arith.constant 0.000000e+00 : f32
    %max3A_150 = vector.broadcast %max3A_149 : f32 to vector<16xf32>
    %max3A_151 = arith.maximumf %div3A_148, %max3A_150 : vector<16xf32>
    %min3A_152 = arith.constant 0.999998986 : f32
    %min3A_153 = vector.broadcast %min3A_152 : f32 to vector<16xf32>
    %min3A_154 = arith.minimumf %max3A_151, %min3A_153 : vector<16xf32>
    %mul3A_155 = arith.constant 2.000000e+01 : f32
    %mul3A_156 = vector.broadcast %mul3A_155 : f32 to vector<16xf32>
    %mul3A_157 = arith.mulf %min3A_141, %mul3A_156 : vector<16xf32>
    %mul3A_158 = arith.constant 2.000000e+01 : f32
    %mul3A_159 = vector.broadcast %mul3A_158 : f32 to vector<16xf32>
    %mul3A_160 = arith.mulf %min3A_154, %mul3A_159 : vector<16xf32>
    %convert_element_type3A_161 = arith.fptosi %mul3A_157 : vector<16xf32> to vector<16xi32>
    %max3A_162 = arith.constant 0 : i32
    %max3A_163 = vector.broadcast %max3A_162 : i32 to vector<16xi32>
    %max3A_164 = arith.maxsi %convert_element_type3A_161, %max3A_163 : vector<16xi32>
    %min3A_165 = arith.constant 19 : i32
    %min3A_166 = vector.broadcast %min3A_165 : i32 to vector<16xi32>
    %min3A_167 = arith.minsi %max3A_164, %min3A_166 : vector<16xi32>
    %convert_element_type3A_168 = arith.fptosi %mul3A_160 : vector<16xf32> to vector<16xi32>
    %max3A_169 = arith.constant 0 : i32
    %max3A_170 = vector.broadcast %max3A_169 : i32 to vector<16xi32>
    %max3A_171 = arith.maxsi %convert_element_type3A_168, %max3A_170 : vector<16xi32>
    %min3A_172 = arith.constant 19 : i32
    %min3A_173 = vector.broadcast %min3A_172 : i32 to vector<16xi32>
    %min3A_174 = arith.minsi %max3A_171, %min3A_173 : vector<16xi32>
    %mul3A_175 = arith.constant 20 : i32
    %mul3A_176 = vector.broadcast %mul3A_175 : i32 to vector<16xi32>
    %mul3A_177 = arith.muli %min3A_174, %mul3A_176 : vector<16xi32>
    %add3A_178 = arith.addi %mul3A_177, %min3A_167 : vector<16xi32>
    %shift_right_arithmetic3A_179 = arith.constant 4 : i32
    %shift_right_arithmetic3A_180 = vector.broadcast %shift_right_arithmetic3A_179 : i32 to vector<16xi32>
    %shift_right_arithmetic3A_181 = arith.shrsi %add3A_178, %shift_right_arithmetic3A_180 : vector<16xi32>
    %mul3A_182 = arith.constant 6375 : i32
    %mul3A_183 = arith.muli %select_n3A, %mul3A_182 : i32
    %add3A_184 = vector.broadcast %mul3A_183 : i32 to vector<16xi32>
    %add3A_185 = arith.addi %shift_right_arithmetic3A_181, %add3A_184 : vector<16xi32>
    %scan3A_186 = arith.constant 0 : i32
    %scan3A_187 = arith.constant 0 : i32
    %scan3A_188 = arith.constant 32 : i32
    %scan3A_189 = arith.addi %scan3A_187, %scan3A_188 : i32
    %scan3A_190 = arith.constant 1 : i32
    scf.for %scan3A_279 = %scan3A_187 to %scan3A_189 step %scan3A_190  : i32 {
      %mul3A_280 = arith.constant 8 : i32
      %mul3A_281 = arith.muli %mul3A_280, %scan3A_279 : i32
      %add3A_282 = arith.constant 0 : i32
      %add3A_283 = arith.addi %mul3A_281, %add3A_282 : i32
      %min3A_284 = arith.constant 254 : i32
      %min3A_285 = arith.minsi %add3A_283, %min3A_284 : i32
      %mul3A_286 = arith.constant 25 : i32
      %mul3A_287 = arith.muli %min3A_285, %mul3A_286 : i32
      %add3A_288 = vector.broadcast %mul3A_287 : i32 to vector<16xi32>
      %add3A_289 = arith.addi %add3A_185, %add3A_288 : vector<16xi32>
      %swap3A = arith.index_cast %scan3A_279 : i32 to index
      %swap3A_290 = arith.constant 0 : index
      %swap3A_291 = tpu.vector_load %arg10[%swap3A, %swap3A_290] {strides = array<i32>} : memref<32x128xi32, #tpu.memory_space<vmem>>, vector<1x16xi32>,
      %swap3A_292 = vector.shape_cast %swap3A_291 : vector<1x16xi32> to vector<16xi32>
      %swap3A_293 = vector.shape_cast %add3A_289 : vector<16xi32> to vector<1x16xi32>
      tpu.vector_store %arg10[%swap3A, %swap3A_290], %swap3A_293 {strides = array<i32>} : memref<32x128xi32, #tpu.memory_space<vmem>>, vector<1x16xi32>,
      %mul3A_294 = arith.constant 8 : i32
      %mul3A_295 = arith.muli %mul3A_294, %scan3A_279 : i32
      %add3A_296 = arith.constant 1 : i32
      %add3A_297 = arith.addi %mul3A_295, %add3A_296 : i32
      %min3A_298 = arith.constant 254 : i32
      %min3A_299 = arith.minsi %add3A_297, %min3A_298 : i32
      %mul3A_300 = arith.constant 25 : i32
      %mul3A_301 = arith.muli %min3A_299, %mul3A_300 : i32
      %add3A_302 = vector.broadcast %mul3A_301 : i32 to vector<16xi32>
      %add3A_303 = arith.addi %add3A_185, %add3A_302 : vector<16xi32>
      %swap3A_304 = arith.index_cast %scan3A_279 : i32 to index
      %swap3A_305 = arith.constant 16 : index
      %swap3A_306 = tpu.vector_load %arg10[%swap3A_304, %swap3A_305] {strides = array<i32>} : memref<32x128xi32, #tpu.memory_space<vmem>>, vector<1x16xi32>,
      %swap3A_307 = vector.shape_cast %swap3A_306 : vector<1x16xi32> to vector<16xi32>
      %swap3A_308 = vector.shape_cast %add3A_303 : vector<16xi32> to vector<1x16xi32>
      tpu.vector_store %arg10[%swap3A_304, %swap3A_305], %swap3A_308 {strides = array<i32>} : memref<32x128xi32, #tpu.memory_space<vmem>>, vector<1x16xi32>,
      %mul3A_309 = arith.constant 8 : i32
      %mul3A_310 = arith.muli %mul3A_309, %scan3A_279 : i32
      %add3A_311 = arith.constant 2 : i32
      %add3A_312 = arith.addi %mul3A_310, %add3A_311 : i32
      %min3A_313 = arith.constant 254 : i32
      %min3A_314 = arith.minsi %add3A_312, %min3A_313 : i32
      %mul3A_315 = arith.constant 25 : i32
      %mul3A_316 = arith.muli %min3A_314, %mul3A_315 : i32
      %add3A_317 = vector.broadcast %mul3A_316 : i32 to vector<16xi32>
      %add3A_318 = arith.addi %add3A_185, %add3A_317 : vector<16xi32>
      %swap3A_319 = arith.index_cast %scan3A_279 : i32 to index
      %swap3A_320 = arith.constant 32 : index
      %swap3A_321 = tpu.vector_load %arg10[%swap3A_319, %swap3A_320] {strides = array<i32>} : memref<32x128xi32, #tpu.memory_space<vmem>>, vector<1x16xi32>,
      %swap3A_322 = vector.shape_cast %swap3A_321 : vector<1x16xi32> to vector<16xi32>
      %swap3A_323 = vector.shape_cast %add3A_318 : vector<16xi32> to vector<1x16xi32>
      tpu.vector_store %arg10[%swap3A_319, %swap3A_320], %swap3A_323 {strides = array<i32>} : memref<32x128xi32, #tpu.memory_space<vmem>>, vector<1x16xi32>,
      %mul3A_324 = arith.constant 8 : i32
      %mul3A_325 = arith.muli %mul3A_324, %scan3A_279 : i32
      %add3A_326 = arith.constant 3 : i32
      %add3A_327 = arith.addi %mul3A_325, %add3A_326 : i32
      %min3A_328 = arith.constant 254 : i32
      %min3A_329 = arith.minsi %add3A_327, %min3A_328 : i32
      %mul3A_330 = arith.constant 25 : i32
      %mul3A_331 = arith.muli %min3A_329, %mul3A_330 : i32
      %add3A_332 = vector.broadcast %mul3A_331 : i32 to vector<16xi32>
      %add3A_333 = arith.addi %add3A_185, %add3A_332 : vector<16xi32>
      %swap3A_334 = arith.index_cast %scan3A_279 : i32 to index
      %swap3A_335 = arith.constant 48 : index
      %swap3A_336 = tpu.vector_load %arg10[%swap3A_334, %swap3A_335] {strides = array<i32>} : memref<32x128xi32, #tpu.memory_space<vmem>>, vector<1x16xi32>,
      %swap3A_337 = vector.shape_cast %swap3A_336 : vector<1x16xi32> to vector<16xi32>
      %swap3A_338 = vector.shape_cast %add3A_333 : vector<16xi32> to vector<1x16xi32>
      tpu.vector_store %arg10[%swap3A_334, %swap3A_335], %swap3A_338 {strides = array<i32>} : memref<32x128xi32, #tpu.memory_space<vmem>>, vector<1x16xi32>,
      %mul3A_339 = arith.constant 8 : i32
      %mul3A_340 = arith.muli %mul3A_339, %scan3A_279 : i32
      %add3A_341 = arith.constant 4 : i32
      %add3A_342 = arith.addi %mul3A_340, %add3A_341 : i32
      %min3A_343 = arith.constant 254 : i32
      %min3A_344 = arith.minsi %add3A_342, %min3A_343 : i32
      %mul3A_345 = arith.constant 25 : i32
      %mul3A_346 = arith.muli %min3A_344, %mul3A_345 : i32
      %add3A_347 = vector.broadcast %mul3A_346 : i32 to vector<16xi32>
      %add3A_348 = arith.addi %add3A_185, %add3A_347 : vector<16xi32>
      %swap3A_349 = arith.index_cast %scan3A_279 : i32 to index
      %swap3A_350 = arith.constant 64 : index
      %swap3A_351 = tpu.vector_load %arg10[%swap3A_349, %swap3A_350] {strides = array<i32>} : memref<32x128xi32, #tpu.memory_space<vmem>>, vector<1x16xi32>,
      %swap3A_352 = vector.shape_cast %swap3A_351 : vector<1x16xi32> to vector<16xi32>
      %swap3A_353 = vector.shape_cast %add3A_348 : vector<16xi32> to vector<1x16xi32>
      tpu.vector_store %arg10[%swap3A_349, %swap3A_350], %swap3A_353 {strides = array<i32>} : memref<32x128xi32, #tpu.memory_space<vmem>>, vector<1x16xi32>,
      %mul3A_354 = arith.constant 8 : i32
      %mul3A_355 = arith.muli %mul3A_354, %scan3A_279 : i32
      %add3A_356 = arith.constant 5 : i32
      %add3A_357 = arith.addi %mul3A_355, %add3A_356 : i32
      %min3A_358 = arith.constant 254 : i32
      %min3A_359 = arith.minsi %add3A_357, %min3A_358 : i32
      %mul3A_360 = arith.constant 25 : i32
      %mul3A_361 = arith.muli %min3A_359, %mul3A_360 : i32
      %add3A_362 = vector.broadcast %mul3A_361 : i32 to vector<16xi32>
      %add3A_363 = arith.addi %add3A_185, %add3A_362 : vector<16xi32>
      %swap3A_364 = arith.index_cast %scan3A_279 : i32 to index
      %swap3A_365 = arith.constant 80 : index
      %swap3A_366 = tpu.vector_load %arg10[%swap3A_364, %swap3A_365] {strides = array<i32>} : memref<32x128xi32, #tpu.memory_space<vmem>>, vector<1x16xi32>,
      %swap3A_367 = vector.shape_cast %swap3A_366 : vector<1x16xi32> to vector<16xi32>
      %swap3A_368 = vector.shape_cast %add3A_363 : vector<16xi32> to vector<1x16xi32>
      tpu.vector_store %arg10[%swap3A_364, %swap3A_365], %swap3A_368 {strides = array<i32>} : memref<32x128xi32, #tpu.memory_space<vmem>>, vector<1x16xi32>,
      %mul3A_369 = arith.constant 8 : i32
      %mul3A_370 = arith.muli %mul3A_369, %scan3A_279 : i32
      %add3A_371 = arith.constant 6 : i32
      %add3A_372 = arith.addi %mul3A_370, %add3A_371 : i32
      %min3A_373 = arith.constant 254 : i32
      %min3A_374 = arith.minsi %add3A_372, %min3A_373 : i32
      %mul3A_375 = arith.constant 25 : i32
      %mul3A_376 = arith.muli %min3A_374, %mul3A_375 : i32
      %add3A_377 = vector.broadcast %mul3A_376 : i32 to vector<16xi32>
      %add3A_378 = arith.addi %add3A_185, %add3A_377 : vector<16xi32>
      %swap3A_379 = arith.index_cast %scan3A_279 : i32 to index
      %swap3A_380 = arith.constant 96 : index
      %swap3A_381 = tpu.vector_load %arg10[%swap3A_379, %swap3A_380] {strides = array<i32>} : memref<32x128xi32, #tpu.memory_space<vmem>>, vector<1x16xi32>,
      %swap3A_382 = vector.shape_cast %swap3A_381 : vector<1x16xi32> to vector<16xi32>
      %swap3A_383 = vector.shape_cast %add3A_378 : vector<16xi32> to vector<1x16xi32>
      tpu.vector_store %arg10[%swap3A_379, %swap3A_380], %swap3A_383 {strides = array<i32>} : memref<32x128xi32, #tpu.memory_space<vmem>>, vector<1x16xi32>,
      %mul3A_384 = arith.constant 8 : i32
      %mul3A_385 = arith.muli %mul3A_384, %scan3A_279 : i32
      %add3A_386 = arith.constant 7 : i32
      %add3A_387 = arith.addi %mul3A_385, %add3A_386 : i32
      %min3A_388 = arith.constant 254 : i32
      %min3A_389 = arith.minsi %add3A_387, %min3A_388 : i32
      %mul3A_390 = arith.constant 25 : i32
      %mul3A_391 = arith.muli %min3A_389, %mul3A_390 : i32
      %add3A_392 = vector.broadcast %mul3A_391 : i32 to vector<16xi32>
      %add3A_393 = arith.addi %add3A_185, %add3A_392 : vector<16xi32>
      %swap3A_394 = arith.index_cast %scan3A_279 : i32 to index
      %swap3A_395 = arith.constant 112 : index
      %swap3A_396 = tpu.vector_load %arg10[%swap3A_394, %swap3A_395] {strides = array<i32>} : memref<32x128xi32, #tpu.memory_space<vmem>>, vector<1x16xi32>,
      %swap3A_397 = vector.shape_cast %swap3A_396 : vector<1x16xi32> to vector<16xi32>
      %swap3A_398 = vector.shape_cast %add3A_393 : vector<16xi32> to vector<1x16xi32>
      tpu.vector_store %arg10[%swap3A_394, %swap3A_395], %swap3A_398 {strides = array<i32>} : memref<32x128xi32, #tpu.memory_space<vmem>>, vector<1x16xi32>,
    }
    %scan3A_191 = arith.constant 32 : i32
    %scan3A_192 = arith.constant 0 : i32
    %scan3A_193 = arith.constant 0 : i32
    %scan3A_194 = arith.constant 32 : i32
    %scan3A_195 = arith.addi %scan3A_193, %scan3A_194 : i32
    %scan3A_196 = arith.constant 1 : i32
    scf.for %scan3A_279 = %scan3A_193 to %scan3A_195 step %scan3A_196  : i32 {
      %mul3A_280 = arith.constant 128 : i32
      %mul3A_281 = arith.muli %scan3A_279, %mul3A_280 : i32
      %dma_start3A = arith.constant 0 : i32
      %dma_start3A_282 = tpu.memref_slice %arg11[%mul3A_281, %dma_start3A] : memref<4096x16xf32, #tpu.memory_space<vmem>> -> memref<128x16xf32, #tpu.memory_space<vmem>>
      %dma_start3A_283 = arith.constant 0 : i32
      %dma_start3A_284 = tpu.memref_slice %arg10[%scan3A_279, %dma_start3A_283] : memref<32x128xi32, #tpu.memory_space<vmem>> -> memref<1x128xi32, #tpu.memory_space<vmem>>
      %dma_start3A_285 = tpu.memref_squeeze %dma_start3A_284 : memref<1x128xi32, #tpu.memory_space<vmem>> -> memref<128xi32, #tpu.memory_space<vmem>>
      %dma_start3A_286 = arith.constant 0 : i32
      %dma_start3A_287 = arith.constant 0 : i32
      %dma_start3A_288 = tpu.memref_slice %arg3[%dma_start3A_286, %dma_start3A_287] : memref<102000x16xf32, #tpu.memory_space<hbm>> -> memref<102000x16xf32, #tpu.memory_space<hbm>>
      tpu.enqueue_indirect_dma source(%dma_start3A_288 : memref<102000x16xf32, #tpu.memory_space<hbm>>) target(%dma_start3A_282 : memref<128x16xf32, #tpu.memory_space<vmem>>) offsets(%dma_start3A_285 : memref<128xi32, #tpu.memory_space<vmem>>) semaphore(%arg12 : memref<!tpu.dma_semaphore, #tpu.memory_space<semaphore_mem>>)
    }
    %scan3A_197 = arith.constant 32 : i32
    %scan3A_198 = arith.constant 0 : i32
    %scan3A_199 = arith.constant 0 : i32
    %scan3A_200 = arith.constant 32 : i32
    %scan3A_201 = arith.addi %scan3A_199, %scan3A_200 : i32
    %scan3A_202 = arith.constant 1 : i32
    scf.for %scan3A_279 = %scan3A_199 to %scan3A_201 step %scan3A_202  : i32 {
      %mul3A_280 = arith.constant 128 : i32
      %mul3A_281 = arith.muli %scan3A_279, %mul3A_280 : i32
      %dma_wait3A = arith.constant 0 : i32
      %dma_wait3A_282 = tpu.memref_slice %arg11[%mul3A_281, %dma_wait3A] : memref<4096x16xf32, #tpu.memory_space<vmem>> -> memref<128x16xf32, #tpu.memory_space<vmem>>
      %dma_wait3A_283 = arith.constant 0 : i32
      %dma_wait3A_284 = tpu.memref_slice %arg10[%scan3A_279, %dma_wait3A_283] : memref<32x128xi32, #tpu.memory_space<vmem>> -> memref<1x128xi32, #tpu.memory_space<vmem>>
      %dma_wait3A_285 = tpu.memref_squeeze %dma_wait3A_284 : memref<1x128xi32, #tpu.memory_space<vmem>> -> memref<128xi32, #tpu.memory_space<vmem>>
      %dma_wait3A_286 = arith.constant 0 : i32
      %dma_wait3A_287 = arith.constant 0 : i32
      %dma_wait3A_288 = tpu.memref_slice %arg3[%dma_wait3A_286, %dma_wait3A_287] : memref<102000x16xf32, #tpu.memory_space<hbm>> -> memref<102000x16xf32, #tpu.memory_space<hbm>>
      tpu.wait_indirect_dma semaphore(%arg12 : memref<!tpu.dma_semaphore, #tpu.memory_space<semaphore_mem>>) src(%dma_wait3A_288 : memref<102000x16xf32, #tpu.memory_space<hbm>>) dst(%dma_wait3A_282 : memref<128x16xf32, #tpu.memory_space<vmem>>)
    }
    %scan3A_203 = arith.constant 32 : i32
    "tpu.region"() ({
      %run_scoped3A_279 = tpu.sem_alloc : memref<!tpu.dma_semaphore, #tpu.memory_space<semaphore_mem>>
      %dma_start3A = arith.constant 0 : i32
      %dma_start3A_280 = arith.constant 0 : i32
      %dma_start3A_281 = tpu.memref_slice %arg7[%select_n3A, %select_n3A_30, %dma_start3A, %dma_start3A_280] : memref<16x2x4096x16xf32, #tpu.memory_space<hbm>> -> memref<1x1x4096x16xf32, #tpu.memory_space<hbm>>
      %dma_start3A_282 = tpu.memref_squeeze %dma_start3A_281 : memref<1x1x4096x16xf32, #tpu.memory_space<hbm>> -> memref<4096x16xf32, #tpu.memory_space<hbm>>
      %dma_start3A_283 = arith.constant 0 : i32
      %dma_start3A_284 = arith.constant 0 : i32
      %dma_start3A_285 = tpu.memref_slice %arg7[%select_n3A, %select_n3A_30, %dma_start3A_283, %dma_start3A_284] : memref<16x2x4096x16xf32, #tpu.memory_space<hbm>> -> memref<1x1x4096x16xf32, #tpu.memory_space<hbm>>
      %dma_start3A_286 = tpu.memref_squeeze %dma_start3A_285 : memref<1x1x4096x16xf32, #tpu.memory_space<hbm>> -> memref<4096x16xf32, #tpu.memory_space<hbm>>
      tpu.enqueue_dma source(%arg11 : memref<4096x16xf32, #tpu.memory_space<vmem>>) target(%dma_start3A_286 : memref<4096x16xf32, #tpu.memory_space<hbm>>) target_semaphore(%run_scoped3A_279 : memref<!tpu.dma_semaphore, #tpu.memory_space<semaphore_mem>>)
      %dma_wait3A = arith.constant 0 : i32
      %dma_wait3A_287 = arith.constant 0 : i32
      %dma_wait3A_288 = tpu.memref_slice %arg7[%select_n3A, %select_n3A_30, %dma_wait3A, %dma_wait3A_287] : memref<16x2x4096x16xf32, #tpu.memory_space<hbm>> -> memref<1x1x4096x16xf32, #tpu.memory_space<hbm>>
      %dma_wait3A_289 = tpu.memref_squeeze %dma_wait3A_288 : memref<1x1x4096x16xf32, #tpu.memory_space<hbm>> -> memref<4096x16xf32, #tpu.memory_space<hbm>>
      %dma_wait3A_290 = arith.constant 0 : i32
      %dma_wait3A_291 = arith.constant 0 : i32
      %dma_wait3A_292 = tpu.memref_slice %arg7[%select_n3A, %select_n3A_30, %dma_wait3A_290, %dma_wait3A_291] : memref<16x2x4096x16xf32, #tpu.memory_space<hbm>> -> memref<1x1x4096x16xf32, #tpu.memory_space<hbm>>
      %dma_wait3A_293 = tpu.memref_squeeze %dma_wait3A_292 : memref<1x1x4096x16xf32, #tpu.memory_space<hbm>> -> memref<4096x16xf32, #tpu.memory_space<hbm>>
      tpu.wait_dma2 semaphore(%run_scoped3A_279 : memref<!tpu.dma_semaphore, #tpu.memory_space<semaphore_mem>>) src(%arg11 : memref<4096x16xf32, #tpu.memory_space<vmem>>) dst(%dma_wait3A_293 : memref<4096x16xf32, #tpu.memory_space<hbm>>)
      tpu.yield
    }) : () -> ()
    %add3A_204 = arith.addf %get3A_43, %get3A_53 : vector<16xf32>
    %mul3A_205 = arith.constant 5.000000e-01 : f32
    %mul3A_206 = vector.broadcast %mul3A_205 : f32 to vector<16xf32>
    %mul3A_207 = arith.mulf %add3A_204, %mul3A_206 : vector<16xf32>
    %div3A_208 = arith.constant 6.400000e+02 : f32
    %div3A_209 = vector.broadcast %div3A_208 : f32 to vector<16xf32>
    %div3A_210 = arith.divf %mul3A_207, %div3A_209 : vector<16xf32>
    %max3A_211 = arith.constant 0.000000e+00 : f32
    %max3A_212 = vector.broadcast %max3A_211 : f32 to vector<16xf32>
    %max3A_213 = arith.maximumf %div3A_210, %max3A_212 : vector<16xf32>
    %min3A_214 = arith.constant 0.999998986 : f32
    %min3A_215 = vector.broadcast %min3A_214 : f32 to vector<16xf32>
    %min3A_216 = arith.minimumf %max3A_213, %min3A_215 : vector<16xf32>
    %add3A_217 = arith.addf %get3A_48, %get3A_58 : vector<16xf32>
    %mul3A_218 = arith.constant 5.000000e-01 : f32
    %mul3A_219 = vector.broadcast %mul3A_218 : f32 to vector<16xf32>
    %mul3A_220 = arith.mulf %add3A_217, %mul3A_219 : vector<16xf32>
    %div3A_221 = arith.constant 6.400000e+02 : f32
    %div3A_222 = vector.broadcast %div3A_221 : f32 to vector<16xf32>
    %div3A_223 = arith.divf %mul3A_220, %div3A_222 : vector<16xf32>
    %max3A_224 = arith.constant 0.000000e+00 : f32
    %max3A_225 = vector.broadcast %max3A_224 : f32 to vector<16xf32>
    %max3A_226 = arith.maximumf %div3A_223, %max3A_225 : vector<16xf32>
    %min3A_227 = arith.constant 0.999998986 : f32
    %min3A_228 = vector.broadcast %min3A_227 : f32 to vector<16xf32>
    %min3A_229 = arith.minimumf %max3A_226, %min3A_228 : vector<16xf32>
    %mul3A_230 = arith.constant 2.000000e+01 : f32
    %mul3A_231 = vector.broadcast %mul3A_230 : f32 to vector<16xf32>
    %mul3A_232 = arith.mulf %min3A_216, %mul3A_231 : vector<16xf32>
    %mul3A_233 = arith.constant 2.000000e+01 : f32
    %mul3A_234 = vector.broadcast %mul3A_233 : f32 to vector<16xf32>
    %mul3A_235 = arith.mulf %min3A_229, %mul3A_234 : vector<16xf32>
    %convert_element_type3A_236 = arith.fptosi %mul3A_232 : vector<16xf32> to vector<16xi32>
    %max3A_237 = arith.constant 0 : i32
    %max3A_238 = vector.broadcast %max3A_237 : i32 to vector<16xi32>
    %max3A_239 = arith.maxsi %convert_element_type3A_236, %max3A_238 : vector<16xi32>
    %min3A_240 = arith.constant 19 : i32
    %min3A_241 = vector.broadcast %min3A_240 : i32 to vector<16xi32>
    %min3A_242 = arith.minsi %max3A_239, %min3A_241 : vector<16xi32>
    %convert_element_type3A_243 = arith.fptosi %mul3A_235 : vector<16xf32> to vector<16xi32>
    %max3A_244 = arith.constant 0 : i32
    %max3A_245 = vector.broadcast %max3A_244 : i32 to vector<16xi32>
    %max3A_246 = arith.maxsi %convert_element_type3A_243, %max3A_245 : vector<16xi32>
    %min3A_247 = arith.constant 19 : i32
    %min3A_248 = vector.broadcast %min3A_247 : i32 to vector<16xi32>
    %min3A_249 = arith.minsi %max3A_246, %min3A_248 : vector<16xi32>
    %mul3A_250 = arith.constant 20 : i32
    %mul3A_251 = vector.broadcast %mul3A_250 : i32 to vector<16xi32>
    %mul3A_252 = arith.muli %min3A_249, %mul3A_251 : vector<16xi32>
    %add3A_253 = arith.addi %mul3A_252, %min3A_242 : vector<16xi32>
    %shift_right_arithmetic3A_254 = arith.constant 4 : i32
    %shift_right_arithmetic3A_255 = vector.broadcast %shift_right_arithmetic3A_254 : i32 to vector<16xi32>
    %shift_right_arithmetic3A_256 = arith.shrsi %add3A_253, %shift_right_arithmetic3A_255 : vector<16xi32>
    %mul3A_257 = arith.constant 6375 : i32
    %mul3A_258 = arith.muli %select_n3A, %mul3A_257 : i32
    %add3A_259 = vector.broadcast %mul3A_258 : i32 to vector<16xi32>
    %add3A_260 = arith.addi %shift_right_arithmetic3A_256, %add3A_259 : vector<16xi32>
    %scan3A_261 = arith.constant 0 : i32
    %scan3A_262 = arith.constant 0 : i32
    %scan3A_263 = arith.constant 32 : i32
    %scan3A_264 = arith.addi %scan3A_262, %scan3A_263 : i32
    %scan3A_265 = arith.constant 1 : i32
    scf.for %scan3A_279 = %scan3A_262 to %scan3A_264 step %scan3A_265  : i32 {
      %mul3A_280 = arith.constant 8 : i32
      %mul3A_281 = arith.muli %mul3A_280, %scan3A_279 : i32
      %add3A_282 = arith.constant 0 : i32
      %add3A_283 = arith.addi %mul3A_281, %add3A_282 : i32
      %min3A_284 = arith.constant 254 : i32
      %min3A_285 = arith.minsi %add3A_283, %min3A_284 : i32
      %mul3A_286 = arith.constant 25 : i32
      %mul3A_287 = arith.muli %min3A_285, %mul3A_286 : i32
      %add3A_288 = vector.broadcast %mul3A_287 : i32 to vector<16xi32>
      %add3A_289 = arith.addi %add3A_260, %add3A_288 : vector<16xi32>
      %swap3A = arith.index_cast %scan3A_279 : i32 to index
      %swap3A_290 = arith.constant 0 : index
      %swap3A_291 = tpu.vector_load %arg10[%swap3A, %swap3A_290] {strides = array<i32>} : memref<32x128xi32, #tpu.memory_space<vmem>>, vector<1x16xi32>,
      %swap3A_292 = vector.shape_cast %swap3A_291 : vector<1x16xi32> to vector<16xi32>
      %swap3A_293 = vector.shape_cast %add3A_289 : vector<16xi32> to vector<1x16xi32>
      tpu.vector_store %arg10[%swap3A, %swap3A_290], %swap3A_293 {strides = array<i32>} : memref<32x128xi32, #tpu.memory_space<vmem>>, vector<1x16xi32>,
      %mul3A_294 = arith.constant 8 : i32
      %mul3A_295 = arith.muli %mul3A_294, %scan3A_279 : i32
      %add3A_296 = arith.constant 1 : i32
      %add3A_297 = arith.addi %mul3A_295, %add3A_296 : i32
      %min3A_298 = arith.constant 254 : i32
      %min3A_299 = arith.minsi %add3A_297, %min3A_298 : i32
      %mul3A_300 = arith.constant 25 : i32
      %mul3A_301 = arith.muli %min3A_299, %mul3A_300 : i32
      %add3A_302 = vector.broadcast %mul3A_301 : i32 to vector<16xi32>
      %add3A_303 = arith.addi %add3A_260, %add3A_302 : vector<16xi32>
      %swap3A_304 = arith.index_cast %scan3A_279 : i32 to index
      %swap3A_305 = arith.constant 16 : index
      %swap3A_306 = tpu.vector_load %arg10[%swap3A_304, %swap3A_305] {strides = array<i32>} : memref<32x128xi32, #tpu.memory_space<vmem>>, vector<1x16xi32>,
      %swap3A_307 = vector.shape_cast %swap3A_306 : vector<1x16xi32> to vector<16xi32>
      %swap3A_308 = vector.shape_cast %add3A_303 : vector<16xi32> to vector<1x16xi32>
      tpu.vector_store %arg10[%swap3A_304, %swap3A_305], %swap3A_308 {strides = array<i32>} : memref<32x128xi32, #tpu.memory_space<vmem>>, vector<1x16xi32>,
      %mul3A_309 = arith.constant 8 : i32
      %mul3A_310 = arith.muli %mul3A_309, %scan3A_279 : i32
      %add3A_311 = arith.constant 2 : i32
      %add3A_312 = arith.addi %mul3A_310, %add3A_311 : i32
      %min3A_313 = arith.constant 254 : i32
      %min3A_314 = arith.minsi %add3A_312, %min3A_313 : i32
      %mul3A_315 = arith.constant 25 : i32
      %mul3A_316 = arith.muli %min3A_314, %mul3A_315 : i32
      %add3A_317 = vector.broadcast %mul3A_316 : i32 to vector<16xi32>
      %add3A_318 = arith.addi %add3A_260, %add3A_317 : vector<16xi32>
      %swap3A_319 = arith.index_cast %scan3A_279 : i32 to index
      %swap3A_320 = arith.constant 32 : index
      %swap3A_321 = tpu.vector_load %arg10[%swap3A_319, %swap3A_320] {strides = array<i32>} : memref<32x128xi32, #tpu.memory_space<vmem>>, vector<1x16xi32>,
      %swap3A_322 = vector.shape_cast %swap3A_321 : vector<1x16xi32> to vector<16xi32>
      %swap3A_323 = vector.shape_cast %add3A_318 : vector<16xi32> to vector<1x16xi32>
      tpu.vector_store %arg10[%swap3A_319, %swap3A_320], %swap3A_323 {strides = array<i32>} : memref<32x128xi32, #tpu.memory_space<vmem>>, vector<1x16xi32>,
      %mul3A_324 = arith.constant 8 : i32
      %mul3A_325 = arith.muli %mul3A_324, %scan3A_279 : i32
      %add3A_326 = arith.constant 3 : i32
      %add3A_327 = arith.addi %mul3A_325, %add3A_326 : i32
      %min3A_328 = arith.constant 254 : i32
      %min3A_329 = arith.minsi %add3A_327, %min3A_328 : i32
      %mul3A_330 = arith.constant 25 : i32
      %mul3A_331 = arith.muli %min3A_329, %mul3A_330 : i32
      %add3A_332 = vector.broadcast %mul3A_331 : i32 to vector<16xi32>
      %add3A_333 = arith.addi %add3A_260, %add3A_332 : vector<16xi32>
      %swap3A_334 = arith.index_cast %scan3A_279 : i32 to index
      %swap3A_335 = arith.constant 48 : index
      %swap3A_336 = tpu.vector_load %arg10[%swap3A_334, %swap3A_335] {strides = array<i32>} : memref<32x128xi32, #tpu.memory_space<vmem>>, vector<1x16xi32>,
      %swap3A_337 = vector.shape_cast %swap3A_336 : vector<1x16xi32> to vector<16xi32>
      %swap3A_338 = vector.shape_cast %add3A_333 : vector<16xi32> to vector<1x16xi32>
      tpu.vector_store %arg10[%swap3A_334, %swap3A_335], %swap3A_338 {strides = array<i32>} : memref<32x128xi32, #tpu.memory_space<vmem>>, vector<1x16xi32>,
      %mul3A_339 = arith.constant 8 : i32
      %mul3A_340 = arith.muli %mul3A_339, %scan3A_279 : i32
      %add3A_341 = arith.constant 4 : i32
      %add3A_342 = arith.addi %mul3A_340, %add3A_341 : i32
      %min3A_343 = arith.constant 254 : i32
      %min3A_344 = arith.minsi %add3A_342, %min3A_343 : i32
      %mul3A_345 = arith.constant 25 : i32
      %mul3A_346 = arith.muli %min3A_344, %mul3A_345 : i32
      %add3A_347 = vector.broadcast %mul3A_346 : i32 to vector<16xi32>
      %add3A_348 = arith.addi %add3A_260, %add3A_347 : vector<16xi32>
      %swap3A_349 = arith.index_cast %scan3A_279 : i32 to index
      %swap3A_350 = arith.constant 64 : index
      %swap3A_351 = tpu.vector_load %arg10[%swap3A_349, %swap3A_350] {strides = array<i32>} : memref<32x128xi32, #tpu.memory_space<vmem>>, vector<1x16xi32>,
      %swap3A_352 = vector.shape_cast %swap3A_351 : vector<1x16xi32> to vector<16xi32>
      %swap3A_353 = vector.shape_cast %add3A_348 : vector<16xi32> to vector<1x16xi32>
      tpu.vector_store %arg10[%swap3A_349, %swap3A_350], %swap3A_353 {strides = array<i32>} : memref<32x128xi32, #tpu.memory_space<vmem>>, vector<1x16xi32>,
      %mul3A_354 = arith.constant 8 : i32
      %mul3A_355 = arith.muli %mul3A_354, %scan3A_279 : i32
      %add3A_356 = arith.constant 5 : i32
      %add3A_357 = arith.addi %mul3A_355, %add3A_356 : i32
      %min3A_358 = arith.constant 254 : i32
      %min3A_359 = arith.minsi %add3A_357, %min3A_358 : i32
      %mul3A_360 = arith.constant 25 : i32
      %mul3A_361 = arith.muli %min3A_359, %mul3A_360 : i32
      %add3A_362 = vector.broadcast %mul3A_361 : i32 to vector<16xi32>
      %add3A_363 = arith.addi %add3A_260, %add3A_362 : vector<16xi32>
      %swap3A_364 = arith.index_cast %scan3A_279 : i32 to index
      %swap3A_365 = arith.constant 80 : index
      %swap3A_366 = tpu.vector_load %arg10[%swap3A_364, %swap3A_365] {strides = array<i32>} : memref<32x128xi32, #tpu.memory_space<vmem>>, vector<1x16xi32>,
      %swap3A_367 = vector.shape_cast %swap3A_366 : vector<1x16xi32> to vector<16xi32>
      %swap3A_368 = vector.shape_cast %add3A_363 : vector<16xi32> to vector<1x16xi32>
      tpu.vector_store %arg10[%swap3A_364, %swap3A_365], %swap3A_368 {strides = array<i32>} : memref<32x128xi32, #tpu.memory_space<vmem>>, vector<1x16xi32>,
      %mul3A_369 = arith.constant 8 : i32
      %mul3A_370 = arith.muli %mul3A_369, %scan3A_279 : i32
      %add3A_371 = arith.constant 6 : i32
      %add3A_372 = arith.addi %mul3A_370, %add3A_371 : i32
      %min3A_373 = arith.constant 254 : i32
      %min3A_374 = arith.minsi %add3A_372, %min3A_373 : i32
      %mul3A_375 = arith.constant 25 : i32
      %mul3A_376 = arith.muli %min3A_374, %mul3A_375 : i32
      %add3A_377 = vector.broadcast %mul3A_376 : i32 to vector<16xi32>
      %add3A_378 = arith.addi %add3A_260, %add3A_377 : vector<16xi32>
      %swap3A_379 = arith.index_cast %scan3A_279 : i32 to index
      %swap3A_380 = arith.constant 96 : index
      %swap3A_381 = tpu.vector_load %arg10[%swap3A_379, %swap3A_380] {strides = array<i32>} : memref<32x128xi32, #tpu.memory_space<vmem>>, vector<1x16xi32>,
      %swap3A_382 = vector.shape_cast %swap3A_381 : vector<1x16xi32> to vector<16xi32>
      %swap3A_383 = vector.shape_cast %add3A_378 : vector<16xi32> to vector<1x16xi32>
      tpu.vector_store %arg10[%swap3A_379, %swap3A_380], %swap3A_383 {strides = array<i32>} : memref<32x128xi32, #tpu.memory_space<vmem>>, vector<1x16xi32>,
      %mul3A_384 = arith.constant 8 : i32
      %mul3A_385 = arith.muli %mul3A_384, %scan3A_279 : i32
      %add3A_386 = arith.constant 7 : i32
      %add3A_387 = arith.addi %mul3A_385, %add3A_386 : i32
      %min3A_388 = arith.constant 254 : i32
      %min3A_389 = arith.minsi %add3A_387, %min3A_388 : i32
      %mul3A_390 = arith.constant 25 : i32
      %mul3A_391 = arith.muli %min3A_389, %mul3A_390 : i32
      %add3A_392 = vector.broadcast %mul3A_391 : i32 to vector<16xi32>
      %add3A_393 = arith.addi %add3A_260, %add3A_392 : vector<16xi32>
      %swap3A_394 = arith.index_cast %scan3A_279 : i32 to index
      %swap3A_395 = arith.constant 112 : index
      %swap3A_396 = tpu.vector_load %arg10[%swap3A_394, %swap3A_395] {strides = array<i32>} : memref<32x128xi32, #tpu.memory_space<vmem>>, vector<1x16xi32>,
      %swap3A_397 = vector.shape_cast %swap3A_396 : vector<1x16xi32> to vector<16xi32>
      %swap3A_398 = vector.shape_cast %add3A_393 : vector<16xi32> to vector<1x16xi32>
      tpu.vector_store %arg10[%swap3A_394, %swap3A_395], %swap3A_398 {strides = array<i32>} : memref<32x128xi32, #tpu.memory_space<vmem>>, vector<1x16xi32>,
    }
    %scan3A_266 = arith.constant 32 : i32
    %scan3A_267 = arith.constant 0 : i32
    %scan3A_268 = arith.constant 0 : i32
    %scan3A_269 = arith.constant 32 : i32
    %scan3A_270 = arith.addi %scan3A_268, %scan3A_269 : i32
    %scan3A_271 = arith.constant 1 : i32
    scf.for %scan3A_279 = %scan3A_268 to %scan3A_270 step %scan3A_271  : i32 {
      %mul3A_280 = arith.constant 128 : i32
      %mul3A_281 = arith.muli %scan3A_279, %mul3A_280 : i32
      %dma_start3A = arith.constant 0 : i32
      %dma_start3A_282 = tpu.memref_slice %arg11[%mul3A_281, %dma_start3A] : memref<4096x16xf32, #tpu.memory_space<vmem>> -> memref<128x16xf32, #tpu.memory_space<vmem>>
      %dma_start3A_283 = arith.constant 0 : i32
      %dma_start3A_284 = tpu.memref_slice %arg10[%scan3A_279, %dma_start3A_283] : memref<32x128xi32, #tpu.memory_space<vmem>> -> memref<1x128xi32, #tpu.memory_space<vmem>>
      %dma_start3A_285 = tpu.memref_squeeze %dma_start3A_284 : memref<1x128xi32, #tpu.memory_space<vmem>> -> memref<128xi32, #tpu.memory_space<vmem>>
      %dma_start3A_286 = arith.constant 0 : i32
      %dma_start3A_287 = arith.constant 0 : i32
      %dma_start3A_288 = tpu.memref_slice %arg4[%dma_start3A_286, %dma_start3A_287] : memref<102000x16xf32, #tpu.memory_space<hbm>> -> memref<102000x16xf32, #tpu.memory_space<hbm>>
      tpu.enqueue_indirect_dma source(%dma_start3A_288 : memref<102000x16xf32, #tpu.memory_space<hbm>>) target(%dma_start3A_282 : memref<128x16xf32, #tpu.memory_space<vmem>>) offsets(%dma_start3A_285 : memref<128xi32, #tpu.memory_space<vmem>>) semaphore(%arg12 : memref<!tpu.dma_semaphore, #tpu.memory_space<semaphore_mem>>)
    }
    %scan3A_272 = arith.constant 32 : i32
    %scan3A_273 = arith.constant 0 : i32
    %scan3A_274 = arith.constant 0 : i32
    %scan3A_275 = arith.constant 32 : i32
    %scan3A_276 = arith.addi %scan3A_274, %scan3A_275 : i32
    %scan3A_277 = arith.constant 1 : i32
    scf.for %scan3A_279 = %scan3A_274 to %scan3A_276 step %scan3A_277  : i32 {
      %mul3A_280 = arith.constant 128 : i32
      %mul3A_281 = arith.muli %scan3A_279, %mul3A_280 : i32
      %dma_wait3A = arith.constant 0 : i32
      %dma_wait3A_282 = tpu.memref_slice %arg11[%mul3A_281, %dma_wait3A] : memref<4096x16xf32, #tpu.memory_space<vmem>> -> memref<128x16xf32, #tpu.memory_space<vmem>>
      %dma_wait3A_283 = arith.constant 0 : i32
      %dma_wait3A_284 = tpu.memref_slice %arg10[%scan3A_279, %dma_wait3A_283] : memref<32x128xi32, #tpu.memory_space<vmem>> -> memref<1x128xi32, #tpu.memory_space<vmem>>
      %dma_wait3A_285 = tpu.memref_squeeze %dma_wait3A_284 : memref<1x128xi32, #tpu.memory_space<vmem>> -> memref<128xi32, #tpu.memory_space<vmem>>
      %dma_wait3A_286 = arith.constant 0 : i32
      %dma_wait3A_287 = arith.constant 0 : i32
      %dma_wait3A_288 = tpu.memref_slice %arg4[%dma_wait3A_286, %dma_wait3A_287] : memref<102000x16xf32, #tpu.memory_space<hbm>> -> memref<102000x16xf32, #tpu.memory_space<hbm>>
      tpu.wait_indirect_dma semaphore(%arg12 : memref<!tpu.dma_semaphore, #tpu.memory_space<semaphore_mem>>) src(%dma_wait3A_288 : memref<102000x16xf32, #tpu.memory_space<hbm>>) dst(%dma_wait3A_282 : memref<128x16xf32, #tpu.memory_space<vmem>>)
    }
    %scan3A_278 = arith.constant 32 : i32
    "tpu.region"() ({
      %run_scoped3A_279 = tpu.sem_alloc : memref<!tpu.dma_semaphore, #tpu.memory_space<semaphore_mem>>
      %dma_start3A = arith.constant 0 : i32
      %dma_start3A_280 = arith.constant 0 : i32
      %dma_start3A_281 = tpu.memref_slice %arg8[%select_n3A, %select_n3A_30, %dma_start3A, %dma_start3A_280] : memref<16x2x4096x16xf32, #tpu.memory_space<hbm>> -> memref<1x1x4096x16xf32, #tpu.memory_space<hbm>>
      %dma_start3A_282 = tpu.memref_squeeze %dma_start3A_281 : memref<1x1x4096x16xf32, #tpu.memory_space<hbm>> -> memref<4096x16xf32, #tpu.memory_space<hbm>>
      %dma_start3A_283 = arith.constant 0 : i32
      %dma_start3A_284 = arith.constant 0 : i32
      %dma_start3A_285 = tpu.memref_slice %arg8[%select_n3A, %select_n3A_30, %dma_start3A_283, %dma_start3A_284] : memref<16x2x4096x16xf32, #tpu.memory_space<hbm>> -> memref<1x1x4096x16xf32, #tpu.memory_space<hbm>>
      %dma_start3A_286 = tpu.memref_squeeze %dma_start3A_285 : memref<1x1x4096x16xf32, #tpu.memory_space<hbm>> -> memref<4096x16xf32, #tpu.memory_space<hbm>>
      tpu.enqueue_dma source(%arg11 : memref<4096x16xf32, #tpu.memory_space<vmem>>) target(%dma_start3A_286 : memref<4096x16xf32, #tpu.memory_space<hbm>>) target_semaphore(%run_scoped3A_279 : memref<!tpu.dma_semaphore, #tpu.memory_space<semaphore_mem>>)
      %dma_wait3A = arith.constant 0 : i32
      %dma_wait3A_287 = arith.constant 0 : i32
      %dma_wait3A_288 = tpu.memref_slice %arg8[%select_n3A, %select_n3A_30, %dma_wait3A, %dma_wait3A_287] : memref<16x2x4096x16xf32, #tpu.memory_space<hbm>> -> memref<1x1x4096x16xf32, #tpu.memory_space<hbm>>
      %dma_wait3A_289 = tpu.memref_squeeze %dma_wait3A_288 : memref<1x1x4096x16xf32, #tpu.memory_space<hbm>> -> memref<4096x16xf32, #tpu.memory_space<hbm>>
      %dma_wait3A_290 = arith.constant 0 : i32
      %dma_wait3A_291 = arith.constant 0 : i32
      %dma_wait3A_292 = tpu.memref_slice %arg8[%select_n3A, %select_n3A_30, %dma_wait3A_290, %dma_wait3A_291] : memref<16x2x4096x16xf32, #tpu.memory_space<hbm>> -> memref<1x1x4096x16xf32, #tpu.memory_space<hbm>>
      %dma_wait3A_293 = tpu.memref_squeeze %dma_wait3A_292 : memref<1x1x4096x16xf32, #tpu.memory_space<hbm>> -> memref<4096x16xf32, #tpu.memory_space<hbm>>
      tpu.wait_dma2 semaphore(%run_scoped3A_279 : memref<!tpu.dma_semaphore, #tpu.memory_space<semaphore_mem>>) src(%arg11 : memref<4096x16xf32, #tpu.memory_space<vmem>>) dst(%dma_wait3A_293 : memref<4096x16xf32, #tpu.memory_space<hbm>>)
      tpu.yield
    }) : () -> ()
    return
  }
}

</mosaic_0001>

<sc_bundles>
// kernel: kernel.3.cloned.1.call-start
scs
__scs_entry_jumppad:
0x0: {  	(pc) =	sbr.rel $0x88, $3  }
0x1: {  	(tag) =	ssettag $0x0;
	lr =	simm.s32 $0x1  }
0x2: {  	[smem:$0x3F9F] =	sst lr;
	_ =	strace $0xD0000000  }
0x3: {  	_ = 	snop  }
0x4: {  	_ = 	snop  }
0x5: {  	_ = 	snop  }
0x6: {  	_ = 	snop  }
0x7: {  	_ = 	snop  }
__scs_overlays_trampoline_lowered:
0x8: {  	[smem:$0x3FAE] =	sst s0  }
0x9: {  	[smem:$0x3FAF] =	sst s1  }
0xa: {  	[smem:$0x3FB0] =	sst s2  }
0xb: {  	[smem:$0x3FB1] =	sst s3  }
0xc: {  	[smem:$0x3FB2] =	sst s4  }
0xd: {  	[smem:$0x3FB3] =	sst s5  }
0xe: {  	[smem:$0x3FB4] =	sst s6  }
0xf: {  	[smem:$0x3FB5] =	sst s7  }
0x10: {  	[smem:$0x3FB6] =	sst s8  }
0x11: {  	[smem:$0x3FB7] =	sst s9;
	s0 =	simm.s32 @!p0 $0x0  }
0x12: {  	s1 =	sld [smem:$0x3F9D];
	s0 =	simm.s32 @p0 $0x1  }
0x13: {  	[smem:$0x3FB8] =	sst s0;
	s0 =	simm.s32 @!p1 $0x0  }
0x14: {  	s2 =	sld [smem:$0x3F9C];
	s0 =	simm.s32 @p1 $0x1  }
0x15: {  	[smem:$0x3FB9] =	sst s0;
	s0 =	simm.s32 @!p2 $0x0  }
0x16: {  	s3 =	sld [smem:$0x3FDB];
	s0 =	simm.s32 @p2 $0x1  }
0x17: {  	s4 =	simm.s32 $0x1BF5;
	[smem:$0x3FBB] =	sst s0  }
0x18: {  	s0 =	sld [smem:$0x3F9E];
	_ =	swait.ge [sflag:s4], $0x0  }
0x19: {  	s7 =	sld [smem:$0x3F9F]  }
0x1a: {  	s8 =	sadd.s32 $0xFFFFE003, lr  }
0x1b: {  	s9 =	sadd.s32 $0xFFFFFEF7, lr;
	s5 =	simm.s32 $0xFFFFFFFF;
	p2 =	slt.u32 s8, $0xFFFFF086  }
0x1c: {  	p1 =	slt.u32 s9, $0xF7A;
	s5 =	simm.s32 @!p2 $0x0  }
0x1d: {  	s5 =	simm.s32 @p1 $0x1;
	p0 =	seq.s32 s7, s2  }
0x1e: {  	s7 =	smul.u32 @!p0 $0xF7A, s2;
	p2 =	seq.s32 @!p0 s5, $0x0  }
0x1f: {  	s9 =	smul.u32 $0xF7A, s1;
	s8 =	simm.s32 @!p0 $0x1BF5;
	p2 =	por !p2, p0  }
0x20: {  	[sflag:s8] =	ssyncset.s32 @!p0 $0xFFFFF086;
	s6 =	sadd.s32 @!p0 s3, s7;
	s7 =	simm.s32 @!p0 $0x108  }
0x21: {  	s3 =	sadd.s32 s3, s9;
	s6 =	sadd.s32 @!p0 $0x88, s6;
	s7 =	simm.s32 @p2 $0x1082  }
0x22: {  	[simem:s7], [sflag:s8] =	dma.local @!p0 [hbm:s6], $0xF7A  }
0x23: {  	s9 =	sor.u32 $0xD0000000, s2;
	s6 =	simm.s32 $0x108;
	_ =	swait.ge @!p0 [sflag:s8], $0x0  }
0x24: {  	s3 =	sadd.s32 $0x88, s3;
	s6 =	simm.s32 @!p1 $0x1082;
	[sflag:s4] =	ssyncset.s32 $0xFFFFF086  }
0x25: {  	[simem:s6], [sflag:s4] =	dma.local [hbm:s3], $0xF7A  }
0x26: {  	[smem:$0x3F9F] =	sst s1;
	(tag) =	ssettag s2;
	_ =	strace s9  }
0x27: {  	s1 =	sld [smem:$0x3FAF]  }
0x28: {  	s2 =	sld [smem:$0x3FB0]  }
0x29: {  	s4 =	sld [smem:$0x3FB2]  }
0x2a: {  	p0 =	seq.s32 s5, $0x0;
	s5 =	sld [smem:$0x3FB3]  }
0x2b: {  	s6 =	sld [smem:$0x3FB4]  }
0x2c: {  	s7 =	sld [smem:$0x3FB5]  }
0x2d: {  	s3 =	simm.s32 $0x108;
	s8 =	sld [smem:$0x3FB6]  }
0x2e: {  	s3 =	simm.s32 @!p0 $0x1082;
	s9 =	sld [smem:$0x3FB7]  }
0x2f: {  	lr =	sadd.s32 s0, s3;
	s0 =	sld [smem:$0x3FAE]  }
0x30: {  	s3 =	sld [smem:$0x3FB1]  }
0x31: {  	[smem:$0x3FBA] =	sst s10  }
0x32: {  	s10 =	sld [smem:$0x3FB8];
	_ =	sdelay $0x3  }
0x33: {  	p0 =	seq.s32 s10, $0x1;
	s10 =	sld [smem:$0x3FBA];
	_ =	sdelay $0x3  }
0x34: {  	[smem:$0x3FBA] =	sst s10  }
0x35: {  	s10 =	sld [smem:$0x3FB9];
	_ =	sdelay $0x3  }
0x36: {  	p1 =	seq.s32 s10, $0x1;
	s10 =	sld [smem:$0x3FBA];
	_ =	sdelay $0x3  }
0x37: {  	[smem:$0x3FBA] =	sst s10  }
0x38: {  	s10 =	sld [smem:$0x3FBB]  }
0x39: {  	_ = 	snop;
	(pc) =	sbr.ind lr, $3  }
0x3a: {  	_ = 	snop  }
0x3b: {  	_ = 	snop  }
0x3c: {  	p2 =	seq.s32 s10, $0x1;
	s10 =	sld [smem:$0x3FBA]  }
0x3d: {  	_ =	shalt  }
0x3e: {  	_ =	shalt  }
0x3f: {  	_ =	shalt  }
0x40: {  	_ =	shalt  }
0x41: {  	_ =	shalt  }
0x42: {  	_ =	shalt  }
0x43: {  	_ =	shalt  }
0x44: {  	_ =	shalt  }
0x45: {  	_ =	shalt  }
0x46: {  	_ =	shalt  }
0x47: {  	_ =	shalt  }
0x48: {  	_ =	shalt  }
0x49: {  	_ =	shalt  }
0x4a: {  	_ =	shalt  }
0x4b: {  	_ =	shalt  }
0x4c: {  	_ =	shalt  }
0x4d: {  	_ =	shalt  }
0x4e: {  	_ =	shalt  }
0x4f: {  	_ =	shalt  }
0x50: {  	_ =	shalt  }
0x51: {  	_ =	shalt  }
0x52: {  	_ =	shalt  }
0x53: {  	_ =	shalt  }
0x54: {  	_ =	shalt  }
0x55: {  	_ =	shalt  }
0x56: {  	_ =	shalt  }
0x57: {  	_ =	shalt  }
0x58: {  	_ =	shalt  }
0x59: {  	_ =	shalt  }
0x5a: {  	_ =	shalt  }
0x5b: {  	_ =	shalt  }
0x5c: {  	_ =	shalt  }
0x5d: {  	_ =	shalt  }
0x5e: {  	_ =	shalt  }
0x5f: {  	_ =	shalt  }
0x60: {  	_ =	shalt  }
0x61: {  	_ =	shalt  }
0x62: {  	_ =	shalt  }
0x63: {  	_ =	shalt  }
0x64: {  	_ =	shalt  }
0x65: {  	_ =	shalt  }
0x66: {  	_ =	shalt  }
0x67: {  	_ =	shalt  }
0x68: {  	_ =	shalt  }
0x69: {  	_ =	shalt  }
0x6a: {  	_ =	shalt  }
0x6b: {  	_ =	shalt  }
0x6c: {  	_ =	shalt  }
0x6d: {  	_ =	shalt  }
0x6e: {  	_ =	shalt  }
0x6f: {  	_ =	shalt  }
0x70: {  	_ =	shalt  }
0x71: {  	_ =	shalt  }
0x72: {  	_ =	shalt  }
0x73: {  	_ =	shalt  }
0x74: {  	_ =	shalt  }
0x75: {  	_ =	shalt  }
0x76: {  	_ =	shalt  }
0x77: {  	_ =	shalt  }
0x78: {  	_ =	shalt  }
0x79: {  	_ =	shalt  }
0x7a: {  	_ =	shalt  }
0x7b: {  	_ =	shalt  }
0x7c: {  	_ =	shalt  }
0x7d: {  	_ =	shalt  }
0x7e: {  	_ =	shalt  }
0x7f: {  	_ =	shalt  }
0x80: {  	_ =	shalt  }
0x81: {  	_ =	shalt  }
0x82: {  	_ =	shalt  }
0x83: {  	_ =	shalt  }
0x84: {  	_ =	shalt  }
0x85: {  	_ =	shalt  }
0x86: {  	_ =	shalt  }
0x87: {  	_ =	shalt  }
.Lfunc_end0:
.L_simem_size_0:
called_computation_lowered:
.L_overlay_start_0:
0x88: {  	s2 =	sld [smem:$0x3FD9]  }
0x89: {  	s3 =	sld [smem:$0x3FFE];
	_ =	sdelay $0x1  }
0x8a: {  	s1 =	srdreg.scid  }
0x8b: {  	s0 =	sand.u32 $0x1, s1  }
0x8c: {  	s16 =	sshll.u32 s0, $0xA;
	s2 =	sadd.s32 s3, s2  }
0x8d: {  	s2 =	sadd.s32 s2, s16  }
0x8e: {  	[smem:$0x3FC6] =	sst s2  }
0x8f: {  	_ = 	snop  }
0x90: {  	(tm) =	ssettm $0x1  }
0x91: {  	s17 =	sld [smem:$0x3FFB];
	_ =	sdelay $0x3  }
0x92: {  	_ =	strace s17  }
0x93: {  	s2 =	sld [smem:$0x3FFC];
	_ =	sdelay $0x3  }
0x94: {  	_ =	strace s2  }
0x95: {  	s2 =	sld [smem:$0x3FFD];
	_ =	sdelay $0x3  }
0x96: {  	_ =	strace s2  }
0x97: {  	_ =	strace $0x8FFFFFFF  }
0x98: {  	s18 =	sld [smem:$0x3FDB];
	_ =	sdelay $0x1  }
0x99: {  	s19 =	simm.s32 $_scs_section_size  }
0x9a: {  	s4 =	simm.s32 $_size__tile_overlayer_lowered;
	s5 =	simm.s32 $_tile_overlayer_lowered  }
0x9b: {  	s22 =	simm.s32 $0x1BFF;
	s21 =	sshll.u32 s5, $0x1;
	s2 =	sadd.s32 s19, s18  }
0x9c: {  	s6 =	simm.s32 $0x0;
	s20 =	sshll.u32 s4, $0x1;
	s4 =	sadd.s32 s21, s2  }
0x9d: {  	[timem:s6], [sflag:s22] =	dma.local [hbm:s4], s20  }
0x9e: {  	_ =	swait.ge [sflag:s22], s20  }
0x9f: {  	s3 =	ssub.s32 $0x0, s20;
	[sflag:s22] =	ssyncset.done $0x0  }
0xa0: {  	[sflag:s22] =	ssyncadd.s32 s3;
	_ =	sdelay $0x1  }
0xa1: {  	s23 =	simm.s32 $0x1B8B  }
0xa2: {  	_ =	swait.ge [sflag:s23], $0x1  }
0xa3: {  	[sflag:s23] =	ssyncset.done $0x0  }
0xa4: {  	s25 =	simm.s32 $0x1B8E;
	s24 =	sld [smem:$0x3FFE];
	[sflag:s23] =	ssyncadd.s32 $0xFFFFFFFF  }
0xa5: {  	s26 =	simm.s32 $execute0_lowered;
	[smem:$0x3FD2] =	sst s25  }
0xa6: {  	s4 =	sshll.u32 s26, $0x1;
	_ =	strace $0x80000046;
	[dreg:$0x1] =	wrdreg $0xFFFFFFFF  }
0xa7: {  	s28 =	simm.s32 $_size_execute0_lowered;
	s2 =	sadd.s32 s2, s4;
	[dreg:$0x0] =	wrdreg $0x0  }
0xa8: {  	s4 =	sshll.u32 s28, $0x1;
	[dreg:$0x2] =	wrdreg s2  }
0xa9: {  	[dreg:$0x3] =	wrdreg s4  }
0xaa: {  	[dreg:$0x4] =	wrdreg $0xC0  }
0xab: {  	_ =	task [dreg:s6], $0x5FFFF  }
0xac: {  	[dreg:$0x1] =	wrdreg $0xFFFFFFFF  }
0xad: {  	[dreg:$0x0] =	wrdreg $0x60  }
0xae: {  	[dreg:$0x2] =	wrdreg s24  }
0xaf: {  	[dreg:$0x3] =	wrdreg $0x9  }
0xb0: {  	_ =	task.clear_ibuf [dreg:s6], $0x4FFFF;
	_ =	strace $0x90000046  }
0xb1: {  	s29 =	simm.s32 $0x9;
	_ =	strace $0x80000048  }
0xb2: {  	_ =	swait.ge [sflag:s29], $0x1  }
0xb3: {  	[sflag:s29] =	ssyncadd.s32 $0xFFFFFFFF  }
0xb4: {  	_ =	strace $0x90000048  }
0xb5: {  	_ =	sfence  }
0xb6: {  	s30 =	sld [smem:$0x0];
	_ =	sdelay $0x2  }
0xb7: {  	s31 =	sshll.u32 s1, $0xD;
	s1 =	sshrl.u32 s1, $0x2  }
0xb8: {  	s3 =	sand.u32 $0x4000, s31;
	s1 =	sadd.s32 s1, s30  }
0xb9: {  	s0 =	sor.u32 s3, s0;
	s1 =	sshll.u32 s1, $0x11  }
0xba: {  	s0 =	sor.u32 s1, s0  }
0xbb: {  	s0 =	sadd.s32 $0x8F2B, s0  }
0xbc: {  	[sflag:s0] =	ssyncadd.remote.s32 $0x1  }
0xbd: {  	_ =	sfence.sel $0xFFFF  }
0xbe: {  	[dreg:$0x0] =	wrdreg $0xFFFFFFFF;
	(pc) =	sbr.abs _section_cstart, $3  }
0xbf: {  	[dreg:$0x1] =	wrdreg $0xFFFFFFFF  }
0xc0: {  	_ =	task.clear_ibuf [dreg:s6], $0x2FFFF;
	_ =	strace $0x9FFFFFFF  }
0xc1: {  	(tm) =	ssettm $0x7FFFFFFF  }
tec
execute0_lowered:
.L_overlay_start_1:
0x0: {  	(tag) =	ssettag $0x1  }
0x1: {  	s0 =	srdreg.scid;
	s4 =	stileid.u32  }
0x2: {  	s5 =	rddreg [dreg:$0x0];
	s2 =	simm.s32 $0x0;
	s18 =	simm.s32 $0x1040  }
0x3: {  	s17 =	simm.s32 $0xE040;
	s19 =	simm.s32 $0xDC0;
	s20 =	simm.s32 $0xE840  }
0x4: {  	s21 =	simm.s32 $0xE40;
	s22 =	simm.s32 $0xF040;
	s28 =	simm.s32 $0xFC0  }
0x5: {  	s29 =	simm.s32 $0x10840;
	s30 =	simm.s32 $0x80;
	s31 =	simm.s32 $0x0  }
0x6: {  	s0 =	sand.u32 $0x1, s0;
	[smem:$0x7FF] =	sst s2;
	s3 =	sadd.s32 $0x17F200, s5  }
0x7: {  	s1 =	sor.u32 s0, s4;
	p1 =	seq.s32 s0, $0x1;
	s8 =	sshll.u32 s0, $0x10  }
0x8: {  	s10 =	sshll.u32 s0, $0x4;
	s0 =	ssub.s32 $0x2, s0;
	p0 =	seq.s32 s1, $0x0  }
0x9: {  	s6 =	sadd.s32 $0x800, s5;
	s25 =	sshrl.u32 s0, $0x1;
	p0 =	por !p0, !p1  }
0xa: {  	s1 =	simm.s32 $0x1;
	s26 =	ssub.s32 s0, s25;
	p0 =	por !p0, !p0  }
0xb: {  	_ =	strace $0x80000047;
	s26 =	smax.u32 s26, $0x1;
	s1 =	simm.s32 @!p0 $0x0  }
0xc: {  	[dreg:$0x9] =	wrdreg s26;
	s26 =	simm.s32 $0x10040;
	s1 =	ssub.s32 s4, s1  }
0xd: {  	s4 =	simm.s32 $0x1;
	s7 =	sshll.u32 s1, $0x11;
	s9 =	sshll.u32 s1, $0x5  }
0xe: {  	s16 =	smul.u32 $0x18E7, s1;
	s7 =	sor.u32 s8, s7;
	s24 =	sor.u32 s10, s9  }
0xf: {  	v0 =	vimm.f32 $6.400000000e+02;
	s7 =	sshrl.u32 s7, $0x3;
	s10 =	sshrl.u32 s24, $0x3;
	s12 =	sadd.s32 $0x200, s24  }
0x10: {  	(erf) = vrcp.f32 v0;
	s13 =	sadd.s32 $0x400, s24;
	s8 =	sadd.s32 $0x600, s24;
	s5 =	sadd.s32 s7, s5  }
0x11: {  	s11 =	sadd.s32 s6, s10;
	s0 =	sshrl.u32 s12, $0x3;
	s9 =	sshrl.u32 s13, $0x3  }
0x12: {  	s8 =	sshrl.u32 s8, $0x3;
	[dreg:$0x2] =	wrdreg s11;
	s0 =	sadd.s32 s6, s0  }
0x13: {  	s13 =	simm.s32 $0x2;
	s14 =	sadd.s32 s6, s9;
	[dreg:$0x3] =	wrdreg s0  }
0x14: {  	s7 =	simm.s32 $0xC840;
	s15 =	sadd.s32 s6, s8;
	[dreg:$0x4] =	wrdreg s14  }
0x15: {  	s10 =	simm.s32 $0xCC0;
	s23 =	sadd.s32 $0x80A00, s5;
	[dreg:$0x5] =	wrdreg s15  }
0x16: {  	s12 =	simm.s32 $0xD40;
	s24 =	sadd.s32 $0xA00, s5;
	[dreg:$0x6] =	wrdreg s23  }
0x17: {  	s25 =	sadd.s32 $0x40A00, s5;
	s8 =	simm.s32 $0xC40;
	[dreg:$0x7] =	wrdreg s24  }
0x18: {  	s9 =	simm.s32 $0xD040;
	s11 =	simm.s32 $0xD840;
	[dreg:$0x8] =	wrdreg s25  }
0x19: {  	v0 =	vmov s16;
	v1 =	vpop (erf);
	s23 =	simm.s32 $0xEC0;
	s24 =	simm.s32 $0xF840;
	s25 =	simm.s32 $0xF40  }
.LBB2_1:
0x1a: {  	s0 =	rddreg [dreg:$0x2]  }
0x1b: {  	[tilespmem:s2], [sflag:$0x2] =	stream.linear.gather [hbm4b:s0+s2], $0x10, $0x38;
	[tilespmem:$0x11040] =	vst v63  }
0x1c: {  	_ =	swait.ge [sflag:s13], $0x10  }
0x1d: {  	[sflag:s13] =	ssyncset.done $0x0  }
0x1e: {  	s1 =	simm.s32 $0x10;
	s14 =	rddreg [dreg:$0x3];
	[sflag:s13] =	ssyncadd.s32 $0xFFFFFFF0  }
0x1f: {  	[tilespmem:s1], [sflag:$0x2] =	stream.linear.gather [hbm4b:s14+s2], $0x10, $0x38;
	[tilespmem:$0x11040] =	vst v63  }
0x20: {  	_ =	swait.ge [sflag:s13], $0x10  }
0x21: {  	[sflag:s13] =	ssyncset.done $0x0  }
0x22: {  	s16 =	simm.s32 $0x20;
	s15 =	rddreg [dreg:$0x4];
	[sflag:s13] =	ssyncadd.s32 $0xFFFFFFF0  }
0x23: {  	[tilespmem:s16], [sflag:$0x2] =	stream.linear.gather [hbm4b:s15+s2], $0x10, $0x38;
	[tilespmem:$0x11040] =	vst v63  }
0x24: {  	_ =	swait.ge [sflag:s13], $0x10  }
0x25: {  	[sflag:s13] =	ssyncset.done $0x0  }
0x26: {  	s5 =	simm.s32 $0x30;
	s1 =	rddreg [dreg:$0x5];
	[sflag:s13] =	ssyncadd.s32 $0xFFFFFFF0  }
0x27: {  	[tilespmem:s5], [sflag:$0x2] =	stream.linear.gather [hbm4b:s1+s2], $0x10, $0x38;
	[tilespmem:$0x11040] =	vst v63  }
0x28: {  	_ =	swait.ge [sflag:s13], $0x10  }
0x29: {  	[sflag:s13] =	ssyncset.done $0x0  }
0x2a: {  	[sflag:s13] =	ssyncadd.s32 $0xFFFFFFF0  }
0x2b: {  	v2 =	vld [tilespmem:$0x10]  }
0x2c: {  	v3 =	vld [tilespmem:$0x30]  }
0x2d: {  	v4 =	vld [tilespmem:$0x0]  }
0x2e: {  	v5 =	vld [tilespmem:$0x20];
	_ =	sdelay $0x2  }
0x2f: {  	v2 =	vadd.f32 v3, v2;
	_ =	sdelay $0x1  }
0x30: {  	v3 =	vadd.f32 v5, v4;
	v2 =	vmul.f32 $5.000000000e-01, v2;
	_ =	sdelay $0x1  }
0x31: {  	v3 =	vmul.f32 $5.000000000e-01, v3;
	v2 =	vmul.f32 v2, v1;
	_ =	sdelay $0x1  }
0x32: {  	v3 =	vmul.f32 v3, v1;
	v2 =	vmax.f32 v2, $0.0e+00  }
0x33: {  	v2 =	vmin.f32 v2, $9.999989860e-01  }
0x34: {  	v3 =	vmax.f32 v3, $0.0e+00;
	v2 =	vmul.f32 $2.000000000e+01, v2  }
0x35: {  	v3 =	vmin.f32 v3, $9.999989860e-01  }
0x36: {  	v3 =	vmul.f32 $2.000000000e+01, v3;
	v2 =	vtrunc.f32 v2  }
0x37: {  	v2 =	vcvt.f32.s32 v2  }
0x38: {  	v3 =	vtrunc.f32 v3  }
0x39: {  	v3 =	vcvt.f32.s32 v3;
	vm0 =	vgt.s32 v2, $0x0  }
0x3a: {  	v2 =	vnsel vm0, $0x0, v2  }
0x3b: {  	vm15 =	vgt.s32 v3, $0x0;
	v2 =	vmin.u32 v2, $0x13  }
0x3c: {  	v3 =	vnsel vm15, $0x0, v3;
	v2 =	vmul.u32 $0x14, v2  }
0x3d: {  	s6 =	simm.s32 $0x7;
	v3 =	vmin.u32 v3, $0x13  }
0x3e: {  	s0 =	smin.u32 s6, $0xFE;
	v2 =	vadd.s32 v3, v2  }
0x3f: {  	s0 =	smul.u32 $0x19, s0;
	v2 =	vshrl.u32 v2, $0x4  }
0x40: {  	v2 =	vadd.s32 v0, v2  }
0x41: {  	s14 =	simm.s32 $0x0;
	v3 =	vadd.s32 s0, v2  }
0x42: {  	s15 =	simm.s32 $0x19;
	v4 =	vadd.s32 s14, v2;
	[tilespmem:s30+$0x30] =	vst v3  }
0x43: {  	s16 =	simm.s32 $0x32;
	[tilespmem:s30+$0xFFFFFFC0] =	vst v4;
	v3 =	vadd.s32 s15, v2  }
0x44: {  	s6 =	simm.s32 $0x64;
	s5 =	simm.s32 $0x4B;
	s1 =	simm.s32 $0x15E;
	[tilespmem:s30+$0xFFFFFFD0] =	vst v3;
	v3 =	vadd.s32 s16, v2  }
0x45: {  	s0 =	simm.s32 $0x96;
	s14 =	simm.s32 $0xF;
	s15 =	simm.s32 $0x80;
	[tilespmem:s30+$0xFFFFFFE0] =	vst v3;
	v3 =	vadd.s32 s5, v2  }
0x46: {  	s16 =	simm.s32 $0x226;
	s5 =	smin.u32 s14, $0xFE;
	[tilespmem:s30+$0xFFFFFFF0] =	vst v3;
	v3 =	vadd.s32 s6, v2;
	s6 =	simm.s32 $0x7D  }
.LBB2_2:
0x47: {  	p0 =	sne.s32 s16, $0x18CE;
	s5 =	smul.u32 $0x19, s5;
	[tilespmem:s15+$0x0] =	vst v3;
	v3 =	vadd.s32 s6, v2  }
0x48: {  	[tilespmem:s15+$0x10] =	vst v3;
	v3 =	vadd.s32 s0, v2;
	s0 =	smov.u32 s1;
	s1 =	smov.u32 s16  }
0x49: {  	s6 =	sadd.s32 $0xFFFFFF6A, s0;
	v4 =	vadd.s32 s5, v2;
	[tilespmem:s15+$0x20] =	vst v3;
	s15 =	sadd.s32 $0x80, s15  }
.Ltmp0:
0x4a: {  	s5 =	sadd.s32 $0xFFFFFF83, s0;
	v3 =	vadd.s32 s6, v2;
	[tilespmem:s15+$0x30] =	vst v4;
	(pc) =	sbr.rel @p0 .LBB2_2-.Ltmp0, $4  }
0x4b: {  	[tilespmem:s15+$0xFFFFFFC0] =	vst v3;
	v3 =	vadd.s32 s5, v2;
	s5 =	sadd.s32 $0xFFFFFF9C, s0  }
0x4c: {  	[tilespmem:s15+$0xFFFFFFD0] =	vst v3;
	v3 =	vadd.s32 s5, v2;
	s5 =	sadd.s32 $0xFFFFFFB5, s0  }
0x4d: {  	s14 =	sadd.s32 $0x8, s14;
	s6 =	sadd.s32 $0xFFFFFFCE, s0;
	[tilespmem:s15+$0xFFFFFFE0] =	vst v3;
	v3 =	vadd.s32 s5, v2  }
0x4e: {  	s16 =	sadd.s32 $0xC8, s16;
	s5 =	smin.u32 s14, $0xFE;
	[tilespmem:s15+$0xFFFFFFF0] =	vst v3;
	v3 =	vadd.s32 s6, v2;
	s6 =	sadd.s32 $0xFFFFFFE7, s0  }
0x4f: {  	s5 =	smul.u32 $0x19, s5;
	[tilespmem:s15+$0x0] =	vst v3;
	v3 =	vadd.s32 s6, v2  }
0x50: {  	[tilespmem:s15+$0x10] =	vst v3;
	v3 =	vadd.s32 s0, v2  }
0x51: {  	s16 =	sadd.s32 $0xFFFFFF6A, s1;
	v4 =	vadd.s32 s5, v2;
	[tilespmem:s15+$0x20] =	vst v3;
	s5 =	sadd.s32 $0x80, s15  }
0x52: {  	s6 =	sadd.s32 $0xFFFFFF83, s1;
	v3 =	vadd.s32 s16, v2;
	[tilespmem:s5+$0x30] =	vst v4  }
0x53: {  	s14 =	sadd.s32 $0xFFFFFF9C, s1;
	[tilespmem:s5+$0xFFFFFFC0] =	vst v3;
	v3 =	vadd.s32 s6, v2  }
0x54: {  	s15 =	sadd.s32 $0xFFFFFFB5, s1;
	[tilespmem:s5+$0xFFFFFFD0] =	vst v3;
	v3 =	vadd.s32 s14, v2  }
0x55: {  	s16 =	sadd.s32 $0xFFFFFFCE, s1;
	[tilespmem:s5+$0xFFFFFFE0] =	vst v3;
	v3 =	vadd.s32 s15, v2  }
0x56: {  	s6 =	sadd.s32 $0xFFFFFFE7, s1;
	[tilespmem:s5+$0xFFFFFFF0] =	vst v3;
	v3 =	vadd.s32 s16, v2  }
0x57: {  	[tilespmem:s5+$0x0] =	vst v3;
	v3 =	vadd.s32 s6, v2  }
0x58: {  	[tilespmem:s5+$0x10] =	vst v3;
	v3 =	vadd.s32 s1, v2  }
0x59: {  	s14 =	simm.s32 $0x40;
	s1 =	simm.s32 $0x80;
	[tilespmem:s5+$0x20] =	vst v3  }
0x5a: {  	[tilespmem:s18], [sflag:$0x1] =	stream.indirect.gather [hbm4b:s3+s1], $0x10, s14, s1, $0xb8;
	[tilespmem:$0x11040] =	vst v63  }
0x5b: {  	s15 =	simm.s32 $0xC0;
	s16 =	simm.s32 $0x1840  }
0x5c: {  	[tilespmem:s16], [sflag:$0x1] =	stream.indirect.gather [hbm4b:s3+s1], $0x10, s15, s1, $0xb8;
	[tilespmem:$0x11040] =	vst v63  }
0x5d: {  	s6 =	simm.s32 $0x140;
	s14 =	simm.s32 $0x2040  }
0x5e: {  	[tilespmem:s14], [sflag:$0x1] =	stream.indirect.gather [hbm4b:s3+s1], $0x10, s6, s1, $0xb8;
	[tilespmem:$0x11040] =	vst v63  }
0x5f: {  	s15 =	simm.s32 $0x1C0;
	s16 =	simm.s32 $0x2840  }
0x60: {  	[tilespmem:s16], [sflag:$0x1] =	stream.indirect.gather [hbm4b:s3+s1], $0x10, s15, s1, $0xb8;
	[tilespmem:$0x11040] =	vst v63  }
0x61: {  	s6 =	simm.s32 $0x240;
	s14 =	simm.s32 $0x3040  }
0x62: {  	[tilespmem:s14], [sflag:$0x1] =	stream.indirect.gather [hbm4b:s3+s1], $0x10, s6, s1, $0xb8;
	[tilespmem:$0x11040] =	vst v63  }
0x63: {  	s15 =	simm.s32 $0x2C0;
	s16 =	simm.s32 $0x3840  }
0x64: {  	[tilespmem:s16], [sflag:$0x1] =	stream.indirect.gather [hbm4b:s3+s1], $0x10, s15, s1, $0xb8;
	[tilespmem:$0x11040] =	vst v63  }
0x65: {  	s6 =	simm.s32 $0x340;
	s14 =	simm.s32 $0x4040  }
0x66: {  	[tilespmem:s14], [sflag:$0x1] =	stream.indirect.gather [hbm4b:s3+s1], $0x10, s6, s1, $0xb8;
	[tilespmem:$0x11040] =	vst v63  }
0x67: {  	s15 =	simm.s32 $0x3C0;
	s16 =	simm.s32 $0x4840  }
0x68: {  	[tilespmem:s16], [sflag:$0x1] =	stream.indirect.gather [hbm4b:s3+s1], $0x10, s15, s1, $0xb8;
	[tilespmem:$0x11040] =	vst v63  }
0x69: {  	s6 =	simm.s32 $0x440;
	s14 =	simm.s32 $0x5040  }
0x6a: {  	[tilespmem:s14], [sflag:$0x1] =	stream.indirect.gather [hbm4b:s3+s1], $0x10, s6, s1, $0xb8;
	[tilespmem:$0x11040] =	vst v63  }
0x6b: {  	s15 =	simm.s32 $0x4C0;
	s16 =	simm.s32 $0x5840  }
0x6c: {  	[tilespmem:s16], [sflag:$0x1] =	stream.indirect.gather [hbm4b:s3+s1], $0x10, s15, s1, $0xb8;
	[tilespmem:$0x11040] =	vst v63  }
0x6d: {  	s6 =	simm.s32 $0x540;
	s14 =	simm.s32 $0x6040  }
0x6e: {  	[tilespmem:s14], [sflag:$0x1] =	stream.indirect.gather [hbm4b:s3+s1], $0x10, s6, s1, $0xb8;
	[tilespmem:$0x11040] =	vst v63  }
0x6f: {  	s15 =	simm.s32 $0x5C0;
	s16 =	simm.s32 $0x6840  }
0x70: {  	[tilespmem:s16], [sflag:$0x1] =	stream.indirect.gather [hbm4b:s3+s1], $0x10, s15, s1, $0xb8;
	[tilespmem:$0x11040] =	vst v63  }
0x71: {  	s6 =	simm.s32 $0x640;
	s14 =	simm.s32 $0x7040  }
0x72: {  	[tilespmem:s14], [sflag:$0x1] =	stream.indirect.gather [hbm4b:s3+s1], $0x10, s6, s1, $0xb8;
	[tilespmem:$0x11040] =	vst v63  }
0x73: {  	s15 =	simm.s32 $0x6C0;
	s16 =	simm.s32 $0x7840  }
0x74: {  	[tilespmem:s16], [sflag:$0x1] =	stream.indirect.gather [hbm4b:s3+s1], $0x10, s15, s1, $0xb8;
	[tilespmem:$0x11040] =	vst v63  }
0x75: {  	s6 =	simm.s32 $0x740;
	s14 =	simm.s32 $0x8040  }
0x76: {  	[tilespmem:s14], [sflag:$0x1] =	stream.indirect.gather [hbm4b:s3+s1], $0x10, s6, s1, $0xb8;
	[tilespmem:$0x11040] =	vst v63  }
0x77: {  	s15 =	simm.s32 $0x7C0;
	s16 =	simm.s32 $0x8840  }
0x78: {  	[tilespmem:s16], [sflag:$0x1] =	stream.indirect.gather [hbm4b:s3+s1], $0x10, s15, s1, $0xb8;
	[tilespmem:$0x11040] =	vst v63  }
0x79: {  	s6 =	simm.s32 $0x840;
	s14 =	simm.s32 $0x9040  }
0x7a: {  	[tilespmem:s14], [sflag:$0x1] =	stream.indirect.gather [hbm4b:s3+s1], $0x10, s6, s1, $0xb8;
	[tilespmem:$0x11040] =	vst v63  }
0x7b: {  	s15 =	simm.s32 $0x8C0;
	s16 =	simm.s32 $0x9840  }
0x7c: {  	[tilespmem:s16], [sflag:$0x1] =	stream.indirect.gather [hbm4b:s3+s1], $0x10, s15, s1, $0xb8;
	[tilespmem:$0x11040] =	vst v63  }
0x7d: {  	s6 =	simm.s32 $0x940;
	s14 =	simm.s32 $0xA040  }
0x7e: {  	[tilespmem:s14], [sflag:$0x1] =	stream.indirect.gather [hbm4b:s3+s1], $0x10, s6, s1, $0xb8;
	[tilespmem:$0x11040] =	vst v63  }
0x7f: {  	s15 =	simm.s32 $0x9C0;
	s16 =	simm.s32 $0xA840  }
0x80: {  	[tilespmem:s16], [sflag:$0x1] =	stream.indirect.gather [hbm4b:s3+s1], $0x10, s15, s1, $0xb8;
	[tilespmem:$0x11040] =	vst v63  }
0x81: {  	s6 =	simm.s32 $0xA40;
	s14 =	simm.s32 $0xB040  }
0x82: {  	[tilespmem:s14], [sflag:$0x1] =	stream.indirect.gather [hbm4b:s3+s1], $0x10, s6, s1, $0xb8;
	[tilespmem:$0x11040] =	vst v63  }
0x83: {  	s15 =	simm.s32 $0xAC0;
	s16 =	simm.s32 $0xB840  }
0x84: {  	[tilespmem:s16], [sflag:$0x1] =	stream.indirect.gather [hbm4b:s3+s1], $0x10, s15, s1, $0xb8;
	[tilespmem:$0x11040] =	vst v63  }
0x85: {  	s6 =	simm.s32 $0xB40;
	s14 =	simm.s32 $0xC040  }
0x86: {  	[tilespmem:s14], [sflag:$0x1] =	stream.indirect.gather [hbm4b:s3+s1], $0x10, s6, s1, $0xb8;
	[tilespmem:$0x11040] =	vst v63  }
0x87: {  	s15 =	simm.s32 $0xBC0  }
0x88: {  	[tilespmem:s7], [sflag:$0x1] =	stream.indirect.gather [hbm4b:s3+s1], $0x10, s15, s1, $0xb8;
	[tilespmem:$0x11040] =	vst v63  }
0x89: {  	_ = 	snop  }
0x8a: {  	[tilespmem:s9], [sflag:$0x1] =	stream.indirect.gather [hbm4b:s3+s1], $0x10, s8, s1, $0xb8;
	[tilespmem:$0x11040] =	vst v63  }
0x8b: {  	_ = 	snop  }
0x8c: {  	[tilespmem:s11], [sflag:$0x1] =	stream.indirect.gather [hbm4b:s3+s1], $0x10, s10, s1, $0xb8;
	[tilespmem:$0x11040] =	vst v63  }
0x8d: {  	_ = 	snop  }
0x8e: {  	[tilespmem:s17], [sflag:$0x1] =	stream.indirect.gather [hbm4b:s3+s1], $0x10, s12, s1, $0xb8;
	[tilespmem:$0x11040] =	vst v63  }
0x8f: {  	_ = 	snop  }
0x90: {  	[tilespmem:s20], [sflag:$0x1] =	stream.indirect.gather [hbm4b:s3+s1], $0x10, s19, s1, $0xb8;
	[tilespmem:$0x11040] =	vst v63  }
0x91: {  	_ = 	snop  }
0x92: {  	[tilespmem:s22], [sflag:$0x1] =	stream.indirect.gather [hbm4b:s3+s1], $0x10, s21, s1, $0xb8;
	[tilespmem:$0x11040] =	vst v63  }
0x93: {  	_ = 	snop  }
0x94: {  	[tilespmem:s24], [sflag:$0x1] =	stream.indirect.gather [hbm4b:s3+s1], $0x10, s23, s1, $0xb8;
	[tilespmem:$0x11040] =	vst v63  }
0x95: {  	_ = 	snop  }
0x96: {  	[tilespmem:s26], [sflag:$0x1] =	stream.indirect.gather [hbm4b:s3+s1], $0x10, s25, s1, $0xb8;
	[tilespmem:$0x11040] =	vst v63  }
0x97: {  	_ = 	snop  }
0x98: {  	[tilespmem:s29], [sflag:$0x1] =	stream.indirect.gather [hbm4b:s3+s1], $0x10, s28, s1, $0xb8;
	[tilespmem:$0x11040] =	vst v63  }
0x99: {  	_ =	swait.ge [sflag:s4], $0x800  }
0x9a: {  	[sflag:s4] =	ssyncset.done $0x0  }
0x9b: {  	[sflag:s4] =	ssyncadd.s32 $0xFFFFF800  }
0x9c: {  	_ =	swait.ge [sflag:s4], $0x800  }
0x9d: {  	[sflag:s4] =	ssyncset.done $0x0  }
0x9e: {  	[sflag:s4] =	ssyncadd.s32 $0xFFFFF800  }
0x9f: {  	_ =	swait.ge [sflag:s4], $0x800  }
0xa0: {  	[sflag:s4] =	ssyncset.done $0x0  }
0xa1: {  	[sflag:s4] =	ssyncadd.s32 $0xFFFFF800  }
0xa2: {  	_ =	swait.ge [sflag:s4], $0x800  }
0xa3: {  	[sflag:s4] =	ssyncset.done $0x0  }
0xa4: {  	[sflag:s4] =	ssyncadd.s32 $0xFFFFF800  }
0xa5: {  	_ =	swait.ge [sflag:s4], $0x800  }
0xa6: {  	[sflag:s4] =	ssyncset.done $0x0  }
0xa7: {  	[sflag:s4] =	ssyncadd.s32 $0xFFFFF800  }
0xa8: {  	_ =	swait.ge [sflag:s4], $0x800  }
0xa9: {  	[sflag:s4] =	ssyncset.done $0x0  }
0xaa: {  	[sflag:s4] =	ssyncadd.s32 $0xFFFFF800  }
0xab: {  	_ =	swait.ge [sflag:s4], $0x800  }
0xac: {  	[sflag:s4] =	ssyncset.done $0x0  }
0xad: {  	[sflag:s4] =	ssyncadd.s32 $0xFFFFF800  }
0xae: {  	_ =	swait.ge [sflag:s4], $0x800  }
0xaf: {  	[sflag:s4] =	ssyncset.done $0x0  }
0xb0: {  	[sflag:s4] =	ssyncadd.s32 $0xFFFFF800  }
0xb1: {  	_ =	swait.ge [sflag:s4], $0x800  }
0xb2: {  	[sflag:s4] =	ssyncset.done $0x0  }
0xb3: {  	[sflag:s4] =	ssyncadd.s32 $0xFFFFF800  }
0xb4: {  	_ =	swait.ge [sflag:s4], $0x800  }
0xb5: {  	[sflag:s4] =	ssyncset.done $0x0  }
0xb6: {  	[sflag:s4] =	ssyncadd.s32 $0xFFFFF800  }
0xb7: {  	_ =	swait.ge [sflag:s4], $0x800  }
0xb8: {  	[sflag:s4] =	ssyncset.done $0x0  }
0xb9: {  	[sflag:s4] =	ssyncadd.s32 $0xFFFFF800  }
0xba: {  	_ =	swait.ge [sflag:s4], $0x800  }
0xbb: {  	[sflag:s4] =	ssyncset.done $0x0  }
0xbc: {  	[sflag:s4] =	ssyncadd.s32 $0xFFFFF800  }
0xbd: {  	_ =	swait.ge [sflag:s4], $0x800  }
0xbe: {  	[sflag:s4] =	ssyncset.done $0x0  }
0xbf: {  	[sflag:s4] =	ssyncadd.s32 $0xFFFFF800  }
0xc0: {  	_ =	swait.ge [sflag:s4], $0x800  }
0xc1: {  	[sflag:s4] =	ssyncset.done $0x0  }
0xc2: {  	[sflag:s4] =	ssyncadd.s32 $0xFFFFF800  }
0xc3: {  	_ =	swait.ge [sflag:s4], $0x800  }
0xc4: {  	[sflag:s4] =	ssyncset.done $0x0  }
0xc5: {  	[sflag:s4] =	ssyncadd.s32 $0xFFFFF800  }
0xc6: {  	_ =	swait.ge [sflag:s4], $0x800  }
0xc7: {  	[sflag:s4] =	ssyncset.done $0x0  }
0xc8: {  	[sflag:s4] =	ssyncadd.s32 $0xFFFFF800  }
0xc9: {  	_ =	swait.ge [sflag:s4], $0x800  }
0xca: {  	[sflag:s4] =	ssyncset.done $0x0  }
0xcb: {  	[sflag:s4] =	ssyncadd.s32 $0xFFFFF800  }
0xcc: {  	_ =	swait.ge [sflag:s4], $0x800  }
0xcd: {  	[sflag:s4] =	ssyncset.done $0x0  }
0xce: {  	[sflag:s4] =	ssyncadd.s32 $0xFFFFF800  }
0xcf: {  	_ =	swait.ge [sflag:s4], $0x800  }
0xd0: {  	[sflag:s4] =	ssyncset.done $0x0  }
0xd1: {  	[sflag:s4] =	ssyncadd.s32 $0xFFFFF800  }
0xd2: {  	_ =	swait.ge [sflag:s4], $0x800  }
0xd3: {  	[sflag:s4] =	ssyncset.done $0x0  }
0xd4: {  	[sflag:s4] =	ssyncadd.s32 $0xFFFFF800  }
0xd5: {  	_ =	swait.ge [sflag:s4], $0x800  }
0xd6: {  	[sflag:s4] =	ssyncset.done $0x0  }
0xd7: {  	[sflag:s4] =	ssyncadd.s32 $0xFFFFF800  }
0xd8: {  	_ =	swait.ge [sflag:s4], $0x800  }
0xd9: {  	[sflag:s4] =	ssyncset.done $0x0  }
0xda: {  	[sflag:s4] =	ssyncadd.s32 $0xFFFFF800  }
0xdb: {  	_ =	swait.ge [sflag:s4], $0x800  }
0xdc: {  	[sflag:s4] =	ssyncset.done $0x0  }
0xdd: {  	[sflag:s4] =	ssyncadd.s32 $0xFFFFF800  }
0xde: {  	_ =	swait.ge [sflag:s4], $0x800  }
0xdf: {  	[sflag:s4] =	ssyncset.done $0x0  }
0xe0: {  	[sflag:s4] =	ssyncadd.s32 $0xFFFFF800  }
0xe1: {  	_ =	swait.ge [sflag:s4], $0x800  }
0xe2: {  	[sflag:s4] =	ssyncset.done $0x0  }
0xe3: {  	[sflag:s4] =	ssyncadd.s32 $0xFFFFF800  }
0xe4: {  	_ =	swait.ge [sflag:s4], $0x800  }
0xe5: {  	[sflag:s4] =	ssyncset.done $0x0  }
0xe6: {  	[sflag:s4] =	ssyncadd.s32 $0xFFFFF800  }
0xe7: {  	_ =	swait.ge [sflag:s4], $0x800  }
0xe8: {  	[sflag:s4] =	ssyncset.done $0x0  }
0xe9: {  	[sflag:s4] =	ssyncadd.s32 $0xFFFFF800  }
0xea: {  	_ =	swait.ge [sflag:s4], $0x800  }
0xeb: {  	[sflag:s4] =	ssyncset.done $0x0  }
0xec: {  	[sflag:s4] =	ssyncadd.s32 $0xFFFFF800  }
0xed: {  	_ =	swait.ge [sflag:s4], $0x800  }
0xee: {  	[sflag:s4] =	ssyncset.done $0x0  }
0xef: {  	[sflag:s4] =	ssyncadd.s32 $0xFFFFF800  }
0xf0: {  	_ =	swait.ge [sflag:s4], $0x800  }
0xf1: {  	[sflag:s4] =	ssyncset.done $0x0  }
0xf2: {  	[sflag:s4] =	ssyncadd.s32 $0xFFFFF800  }
0xf3: {  	_ =	swait.ge [sflag:s4], $0x800  }
0xf4: {  	[sflag:s4] =	ssyncset.done $0x0  }
0xf5: {  	[sflag:s4] =	ssyncadd.s32 $0xFFFFF800  }
0xf6: {  	_ =	swait.ge [sflag:s4], $0x800  }
0xf7: {  	s5 =	simm.s32 $0x7;
	[sflag:s4] =	ssyncset.done $0x0  }
0xf8: {  	s0 =	smin.u32 s5, $0xFE;
	s16 =	rddreg [dreg:$0x6];
	[sflag:s4] =	ssyncadd.s32 $0xFFFFF800  }
0xf9: {  	[hbm4b:s16+s2] =	stream.linear.scatter [tilespmem:s18], [sflag:$0x2], $0x10000, $0x38;
	[tilespmem:$0x11040] =	vst v63  }
0xfa: {  	s0 =	smul.u32 $0x19, s0;
	_ =	swait.ge [sflag:s13], $0x10000  }
0xfb: {  	[sflag:s13] =	ssyncset.done $0x0  }
0xfc: {  	v3 =	vadd.s32 s0, v2;
	s6 =	simm.s32 $0x0;
	[sflag:s13] =	ssyncadd.s32 $0xFFFF0000  }
0xfd: {  	s14 =	simm.s32 $0x19;
	v4 =	vadd.s32 s6, v2;
	[tilespmem:s1+$0x30] =	vst v3  }
0xfe: {  	s15 =	simm.s32 $0x32;
	[tilespmem:s1+$0xFFFFFFC0] =	vst v4;
	v3 =	vadd.s32 s14, v2  }
0xff: {  	s0 =	simm.s32 $0x15E;
	s16 =	simm.s32 $0x4B;
	[tilespmem:s1+$0xFFFFFFD0] =	vst v3;
	v3 =	vadd.s32 s15, v2  }
0x100: {  	s6 =	simm.s32 $0x64;
	s14 =	simm.s32 $0x96;
	s15 =	simm.s32 $0xF;
	[tilespmem:s1+$0xFFFFFFE0] =	vst v3;
	v3 =	vadd.s32 s16, v2  }
0x101: {  	s5 =	smin.u32 s15, $0xFE;
	s16 =	simm.s32 $0x226;
	[tilespmem:s1+$0xFFFFFFF0] =	vst v3;
	v3 =	vadd.s32 s6, v2;
	s6 =	simm.s32 $0x7D  }
.LBB2_4:
0x102: {  	p0 =	sne.s32 s16, $0x18CE;
	s5 =	smul.u32 $0x19, s5;
	[tilespmem:s1+$0x0] =	vst v3;
	v3 =	vadd.s32 s6, v2  }
0x103: {  	[tilespmem:s1+$0x10] =	vst v3;
	v3 =	vadd.s32 s14, v2;
	s14 =	smov.u32 s0;
	s0 =	smov.u32 s16  }
0x104: {  	s6 =	sadd.s32 $0xFFFFFF6A, s14;
	v4 =	vadd.s32 s5, v2;
	[tilespmem:s1+$0x20] =	vst v3;
	s1 =	sadd.s32 $0x80, s1  }
.Ltmp1:
0x105: {  	s5 =	sadd.s32 $0xFFFFFF83, s14;
	v3 =	vadd.s32 s6, v2;
	[tilespmem:s1+$0x30] =	vst v4;
	(pc) =	sbr.rel @p0 .LBB2_4-.Ltmp1, $4  }
0x106: {  	[tilespmem:s1+$0xFFFFFFC0] =	vst v3;
	v3 =	vadd.s32 s5, v2;
	s5 =	sadd.s32 $0xFFFFFF9C, s14  }
0x107: {  	[tilespmem:s1+$0xFFFFFFD0] =	vst v3;
	v3 =	vadd.s32 s5, v2;
	s5 =	sadd.s32 $0xFFFFFFB5, s14  }
0x108: {  	s15 =	sadd.s32 $0x8, s15;
	s6 =	sadd.s32 $0xFFFFFFCE, s14;
	[tilespmem:s1+$0xFFFFFFE0] =	vst v3;
	v3 =	vadd.s32 s5, v2  }
0x109: {  	s16 =	sadd.s32 $0xC8, s16;
	s5 =	smin.u32 s15, $0xFE;
	[tilespmem:s1+$0xFFFFFFF0] =	vst v3;
	v3 =	vadd.s32 s6, v2;
	s6 =	sadd.s32 $0xFFFFFFE7, s14  }
0x10a: {  	s5 =	smul.u32 $0x19, s5;
	[tilespmem:s1+$0x0] =	vst v3;
	v3 =	vadd.s32 s6, v2  }
0x10b: {  	[tilespmem:s1+$0x10] =	vst v3;
	v3 =	vadd.s32 s14, v2  }
0x10c: {  	s16 =	sadd.s32 $0xFFFFFF6A, s0;
	v4 =	vadd.s32 s5, v2;
	[tilespmem:s1+$0x20] =	vst v3;
	s1 =	sadd.s32 $0x80, s1  }
0x10d: {  	s6 =	sadd.s32 $0xFFFFFF83, s0;
	v3 =	vadd.s32 s16, v2;
	[tilespmem:s1+$0x30] =	vst v4  }
0x10e: {  	s14 =	sadd.s32 $0xFFFFFF9C, s0;
	[tilespmem:s1+$0xFFFFFFC0] =	vst v3;
	v3 =	vadd.s32 s6, v2  }
0x10f: {  	s15 =	sadd.s32 $0xFFFFFFB5, s0;
	[tilespmem:s1+$0xFFFFFFD0] =	vst v3;
	v3 =	vadd.s32 s14, v2  }
0x110: {  	s16 =	sadd.s32 $0xFFFFFFCE, s0;
	[tilespmem:s1+$0xFFFFFFE0] =	vst v3;
	v3 =	vadd.s32 s15, v2  }
0x111: {  	s6 =	sadd.s32 $0xFFFFFFE7, s0;
	[tilespmem:s1+$0xFFFFFFF0] =	vst v3;
	v3 =	vadd.s32 s16, v2  }
0x112: {  	[tilespmem:s1+$0x0] =	vst v3;
	v3 =	vadd.s32 s6, v2  }
0x113: {  	[tilespmem:s1+$0x10] =	vst v3;
	v3 =	vadd.s32 s0, v2  }
0x114: {  	s14 =	simm.s32 $0x40;
	[tilespmem:s1+$0x20] =	vst v3;
	s1 =	simm.s32 $0x80  }
0x115: {  	[tilespmem:s18], [sflag:$0x1] =	stream.indirect.gather [hbm4b:s3+s1], $0x10, s14, s1, $0xb8;
	[tilespmem:$0x11040] =	vst v63  }
0x116: {  	s15 =	simm.s32 $0xC0;
	s16 =	simm.s32 $0x1840  }
0x117: {  	[tilespmem:s16], [sflag:$0x1] =	stream.indirect.gather [hbm4b:s3+s1], $0x10, s15, s1, $0xb8;
	[tilespmem:$0x11040] =	vst v63  }
0x118: {  	s6 =	simm.s32 $0x140;
	s14 =	simm.s32 $0x2040  }
0x119: {  	[tilespmem:s14], [sflag:$0x1] =	stream.indirect.gather [hbm4b:s3+s1], $0x10, s6, s1, $0xb8;
	[tilespmem:$0x11040] =	vst v63  }
0x11a: {  	s15 =	simm.s32 $0x1C0;
	s16 =	simm.s32 $0x2840  }
0x11b: {  	[tilespmem:s16], [sflag:$0x1] =	stream.indirect.gather [hbm4b:s3+s1], $0x10, s15, s1, $0xb8;
	[tilespmem:$0x11040] =	vst v63  }
0x11c: {  	s6 =	simm.s32 $0x240;
	s14 =	simm.s32 $0x3040  }
0x11d: {  	[tilespmem:s14], [sflag:$0x1] =	stream.indirect.gather [hbm4b:s3+s1], $0x10, s6, s1, $0xb8;
	[tilespmem:$0x11040] =	vst v63  }
0x11e: {  	s15 =	simm.s32 $0x2C0;
	s16 =	simm.s32 $0x3840  }
0x11f: {  	[tilespmem:s16], [sflag:$0x1] =	stream.indirect.gather [hbm4b:s3+s1], $0x10, s15, s1, $0xb8;
	[tilespmem:$0x11040] =	vst v63  }
0x120: {  	s6 =	simm.s32 $0x340;
	s14 =	simm.s32 $0x4040  }
0x121: {  	[tilespmem:s14], [sflag:$0x1] =	stream.indirect.gather [hbm4b:s3+s1], $0x10, s6, s1, $0xb8;
	[tilespmem:$0x11040] =	vst v63  }
0x122: {  	s15 =	simm.s32 $0x3C0;
	s16 =	simm.s32 $0x4840  }
0x123: {  	[tilespmem:s16], [sflag:$0x1] =	stream.indirect.gather [hbm4b:s3+s1], $0x10, s15, s1, $0xb8;
	[tilespmem:$0x11040] =	vst v63  }
0x124: {  	s6 =	simm.s32 $0x440;
	s14 =	simm.s32 $0x5040  }
0x125: {  	[tilespmem:s14], [sflag:$0x1] =	stream.indirect.gather [hbm4b:s3+s1], $0x10, s6, s1, $0xb8;
	[tilespmem:$0x11040] =	vst v63  }
0x126: {  	s15 =	simm.s32 $0x4C0;
	s16 =	simm.s32 $0x5840  }
0x127: {  	[tilespmem:s16], [sflag:$0x1] =	stream.indirect.gather [hbm4b:s3+s1], $0x10, s15, s1, $0xb8;
	[tilespmem:$0x11040] =	vst v63  }
0x128: {  	s6 =	simm.s32 $0x540;
	s14 =	simm.s32 $0x6040  }
0x129: {  	[tilespmem:s14], [sflag:$0x1] =	stream.indirect.gather [hbm4b:s3+s1], $0x10, s6, s1, $0xb8;
	[tilespmem:$0x11040] =	vst v63  }
0x12a: {  	s15 =	simm.s32 $0x5C0;
	s16 =	simm.s32 $0x6840  }
0x12b: {  	[tilespmem:s16], [sflag:$0x1] =	stream.indirect.gather [hbm4b:s3+s1], $0x10, s15, s1, $0xb8;
	[tilespmem:$0x11040] =	vst v63  }
0x12c: {  	s6 =	simm.s32 $0x640;
	s14 =	simm.s32 $0x7040  }
0x12d: {  	[tilespmem:s14], [sflag:$0x1] =	stream.indirect.gather [hbm4b:s3+s1], $0x10, s6, s1, $0xb8;
	[tilespmem:$0x11040] =	vst v63  }
0x12e: {  	s15 =	simm.s32 $0x6C0;
	s16 =	simm.s32 $0x7840  }
0x12f: {  	[tilespmem:s16], [sflag:$0x1] =	stream.indirect.gather [hbm4b:s3+s1], $0x10, s15, s1, $0xb8;
	[tilespmem:$0x11040] =	vst v63  }
0x130: {  	s6 =	simm.s32 $0x740;
	s14 =	simm.s32 $0x8040  }
0x131: {  	[tilespmem:s14], [sflag:$0x1] =	stream.indirect.gather [hbm4b:s3+s1], $0x10, s6, s1, $0xb8;
	[tilespmem:$0x11040] =	vst v63  }
0x132: {  	s15 =	simm.s32 $0x7C0;
	s16 =	simm.s32 $0x8840  }
0x133: {  	[tilespmem:s16], [sflag:$0x1] =	stream.indirect.gather [hbm4b:s3+s1], $0x10, s15, s1, $0xb8;
	[tilespmem:$0x11040] =	vst v63  }
0x134: {  	s6 =	simm.s32 $0x840;
	s14 =	simm.s32 $0x9040  }
0x135: {  	[tilespmem:s14], [sflag:$0x1] =	stream.indirect.gather [hbm4b:s3+s1], $0x10, s6, s1, $0xb8;
	[tilespmem:$0x11040] =	vst v63  }
0x136: {  	s15 =	simm.s32 $0x8C0;
	s16 =	simm.s32 $0x9840  }
0x137: {  	[tilespmem:s16], [sflag:$0x1] =	stream.indirect.gather [hbm4b:s3+s1], $0x10, s15, s1, $0xb8;
	[tilespmem:$0x11040] =	vst v63  }
0x138: {  	s6 =	simm.s32 $0x940;
	s14 =	simm.s32 $0xA040  }
0x139: {  	[tilespmem:s14], [sflag:$0x1] =	stream.indirect.gather [hbm4b:s3+s1], $0x10, s6, s1, $0xb8;
	[tilespmem:$0x11040] =	vst v63  }
0x13a: {  	s15 =	simm.s32 $0x9C0;
	s16 =	simm.s32 $0xA840  }
0x13b: {  	[tilespmem:s16], [sflag:$0x1] =	stream.indirect.gather [hbm4b:s3+s1], $0x10, s15, s1, $0xb8;
	[tilespmem:$0x11040] =	vst v63  }
0x13c: {  	s6 =	simm.s32 $0xA40;
	s14 =	simm.s32 $0xB040  }
0x13d: {  	[tilespmem:s14], [sflag:$0x1] =	stream.indirect.gather [hbm4b:s3+s1], $0x10, s6, s1, $0xb8;
	[tilespmem:$0x11040] =	vst v63  }
0x13e: {  	s15 =	simm.s32 $0xAC0;
	s16 =	simm.s32 $0xB840  }
0x13f: {  	[tilespmem:s16], [sflag:$0x1] =	stream.indirect.gather [hbm4b:s3+s1], $0x10, s15, s1, $0xb8;
	[tilespmem:$0x11040] =	vst v63  }
0x140: {  	s6 =	simm.s32 $0xB40;
	s14 =	simm.s32 $0xC040  }
0x141: {  	[tilespmem:s14], [sflag:$0x1] =	stream.indirect.gather [hbm4b:s3+s1], $0x10, s6, s1, $0xb8;
	[tilespmem:$0x11040] =	vst v63  }
0x142: {  	s15 =	simm.s32 $0xBC0  }
0x143: {  	[tilespmem:s7], [sflag:$0x1] =	stream.indirect.gather [hbm4b:s3+s1], $0x10, s15, s1, $0xb8;
	[tilespmem:$0x11040] =	vst v63  }
0x144: {  	_ = 	snop  }
0x145: {  	[tilespmem:s9], [sflag:$0x1] =	stream.indirect.gather [hbm4b:s3+s1], $0x10, s8, s1, $0xb8;
	[tilespmem:$0x11040] =	vst v63  }
0x146: {  	_ = 	snop  }
0x147: {  	[tilespmem:s11], [sflag:$0x1] =	stream.indirect.gather [hbm4b:s3+s1], $0x10, s10, s1, $0xb8;
	[tilespmem:$0x11040] =	vst v63  }
0x148: {  	_ = 	snop  }
0x149: {  	[tilespmem:s17], [sflag:$0x1] =	stream.indirect.gather [hbm4b:s3+s1], $0x10, s12, s1, $0xb8;
	[tilespmem:$0x11040] =	vst v63  }
0x14a: {  	_ = 	snop  }
0x14b: {  	[tilespmem:s20], [sflag:$0x1] =	stream.indirect.gather [hbm4b:s3+s1], $0x10, s19, s1, $0xb8;
	[tilespmem:$0x11040] =	vst v63  }
0x14c: {  	_ = 	snop  }
0x14d: {  	[tilespmem:s22], [sflag:$0x1] =	stream.indirect.gather [hbm4b:s3+s1], $0x10, s21, s1, $0xb8;
	[tilespmem:$0x11040] =	vst v63  }
0x14e: {  	_ = 	snop  }
0x14f: {  	[tilespmem:s24], [sflag:$0x1] =	stream.indirect.gather [hbm4b:s3+s1], $0x10, s23, s1, $0xb8;
	[tilespmem:$0x11040] =	vst v63  }
0x150: {  	_ = 	snop  }
0x151: {  	[tilespmem:s26], [sflag:$0x1] =	stream.indirect.gather [hbm4b:s3+s1], $0x10, s25, s1, $0xb8;
	[tilespmem:$0x11040] =	vst v63  }
0x152: {  	_ = 	snop  }
0x153: {  	[tilespmem:s29], [sflag:$0x1] =	stream.indirect.gather [hbm4b:s3+s1], $0x10, s28, s1, $0xb8;
	[tilespmem:$0x11040] =	vst v63  }
0x154: {  	_ =	swait.ge [sflag:s4], $0x800  }
0x155: {  	[sflag:s4] =	ssyncset.done $0x0  }
0x156: {  	[sflag:s4] =	ssyncadd.s32 $0xFFFFF800  }
0x157: {  	_ =	swait.ge [sflag:s4], $0x800  }
0x158: {  	[sflag:s4] =	ssyncset.done $0x0  }
0x159: {  	[sflag:s4] =	ssyncadd.s32 $0xFFFFF800  }
0x15a: {  	_ =	swait.ge [sflag:s4], $0x800  }
0x15b: {  	[sflag:s4] =	ssyncset.done $0x0  }
0x15c: {  	[sflag:s4] =	ssyncadd.s32 $0xFFFFF800  }
0x15d: {  	_ =	swait.ge [sflag:s4], $0x800  }
0x15e: {  	[sflag:s4] =	ssyncset.done $0x0  }
0x15f: {  	[sflag:s4] =	ssyncadd.s32 $0xFFFFF800  }
0x160: {  	_ =	swait.ge [sflag:s4], $0x800  }
0x161: {  	[sflag:s4] =	ssyncset.done $0x0  }
0x162: {  	[sflag:s4] =	ssyncadd.s32 $0xFFFFF800  }
0x163: {  	_ =	swait.ge [sflag:s4], $0x800  }
0x164: {  	[sflag:s4] =	ssyncset.done $0x0  }
0x165: {  	[sflag:s4] =	ssyncadd.s32 $0xFFFFF800  }
0x166: {  	_ =	swait.ge [sflag:s4], $0x800  }
0x167: {  	[sflag:s4] =	ssyncset.done $0x0  }
0x168: {  	[sflag:s4] =	ssyncadd.s32 $0xFFFFF800  }
0x169: {  	_ =	swait.ge [sflag:s4], $0x800  }
0x16a: {  	[sflag:s4] =	ssyncset.done $0x0  }
0x16b: {  	[sflag:s4] =	ssyncadd.s32 $0xFFFFF800  }
0x16c: {  	_ =	swait.ge [sflag:s4], $0x800  }
0x16d: {  	[sflag:s4] =	ssyncset.done $0x0  }
0x16e: {  	[sflag:s4] =	ssyncadd.s32 $0xFFFFF800  }
0x16f: {  	_ =	swait.ge [sflag:s4], $0x800  }
0x170: {  	[sflag:s4] =	ssyncset.done $0x0  }
0x171: {  	[sflag:s4] =	ssyncadd.s32 $0xFFFFF800  }
0x172: {  	_ =	swait.ge [sflag:s4], $0x800  }
0x173: {  	[sflag:s4] =	ssyncset.done $0x0  }
0x174: {  	[sflag:s4] =	ssyncadd.s32 $0xFFFFF800  }
0x175: {  	_ =	swait.ge [sflag:s4], $0x800  }
0x176: {  	[sflag:s4] =	ssyncset.done $0x0  }
0x177: {  	[sflag:s4] =	ssyncadd.s32 $0xFFFFF800  }
0x178: {  	_ =	swait.ge [sflag:s4], $0x800  }
0x179: {  	[sflag:s4] =	ssyncset.done $0x0  }
0x17a: {  	[sflag:s4] =	ssyncadd.s32 $0xFFFFF800  }
0x17b: {  	_ =	swait.ge [sflag:s4], $0x800  }
0x17c: {  	[sflag:s4] =	ssyncset.done $0x0  }
0x17d: {  	[sflag:s4] =	ssyncadd.s32 $0xFFFFF800  }
0x17e: {  	_ =	swait.ge [sflag:s4], $0x800  }
0x17f: {  	[sflag:s4] =	ssyncset.done $0x0  }
0x180: {  	[sflag:s4] =	ssyncadd.s32 $0xFFFFF800  }
0x181: {  	_ =	swait.ge [sflag:s4], $0x800  }
0x182: {  	[sflag:s4] =	ssyncset.done $0x0  }
0x183: {  	[sflag:s4] =	ssyncadd.s32 $0xFFFFF800  }
0x184: {  	_ =	swait.ge [sflag:s4], $0x800  }
0x185: {  	[sflag:s4] =	ssyncset.done $0x0  }
0x186: {  	[sflag:s4] =	ssyncadd.s32 $0xFFFFF800  }
0x187: {  	_ =	swait.ge [sflag:s4], $0x800  }
0x188: {  	[sflag:s4] =	ssyncset.done $0x0  }
0x189: {  	[sflag:s4] =	ssyncadd.s32 $0xFFFFF800  }
0x18a: {  	_ =	swait.ge [sflag:s4], $0x800  }
0x18b: {  	[sflag:s4] =	ssyncset.done $0x0  }
0x18c: {  	[sflag:s4] =	ssyncadd.s32 $0xFFFFF800  }
0x18d: {  	_ =	swait.ge [sflag:s4], $0x800  }
0x18e: {  	[sflag:s4] =	ssyncset.done $0x0  }
0x18f: {  	[sflag:s4] =	ssyncadd.s32 $0xFFFFF800  }
0x190: {  	_ =	swait.ge [sflag:s4], $0x800  }
0x191: {  	[sflag:s4] =	ssyncset.done $0x0  }
0x192: {  	[sflag:s4] =	ssyncadd.s32 $0xFFFFF800  }
0x193: {  	_ =	swait.ge [sflag:s4], $0x800  }
0x194: {  	[sflag:s4] =	ssyncset.done $0x0  }
0x195: {  	[sflag:s4] =	ssyncadd.s32 $0xFFFFF800  }
0x196: {  	_ =	swait.ge [sflag:s4], $0x800  }
0x197: {  	[sflag:s4] =	ssyncset.done $0x0  }
0x198: {  	[sflag:s4] =	ssyncadd.s32 $0xFFFFF800  }
0x199: {  	_ =	swait.ge [sflag:s4], $0x800  }
0x19a: {  	[sflag:s4] =	ssyncset.done $0x0  }
0x19b: {  	[sflag:s4] =	ssyncadd.s32 $0xFFFFF800  }
0x19c: {  	_ =	swait.ge [sflag:s4], $0x800  }
0x19d: {  	[sflag:s4] =	ssyncset.done $0x0  }
0x19e: {  	[sflag:s4] =	ssyncadd.s32 $0xFFFFF800  }
0x19f: {  	_ =	swait.ge [sflag:s4], $0x800  }
0x1a0: {  	[sflag:s4] =	ssyncset.done $0x0  }
0x1a1: {  	[sflag:s4] =	ssyncadd.s32 $0xFFFFF800  }
0x1a2: {  	_ =	swait.ge [sflag:s4], $0x800  }
0x1a3: {  	[sflag:s4] =	ssyncset.done $0x0  }
0x1a4: {  	[sflag:s4] =	ssyncadd.s32 $0xFFFFF800  }
0x1a5: {  	_ =	swait.ge [sflag:s4], $0x800  }
0x1a6: {  	[sflag:s4] =	ssyncset.done $0x0  }
0x1a7: {  	[sflag:s4] =	ssyncadd.s32 $0xFFFFF800  }
0x1a8: {  	_ =	swait.ge [sflag:s4], $0x800  }
0x1a9: {  	[sflag:s4] =	ssyncset.done $0x0  }
0x1aa: {  	[sflag:s4] =	ssyncadd.s32 $0xFFFFF800  }
0x1ab: {  	_ =	swait.ge [sflag:s4], $0x800  }
0x1ac: {  	[sflag:s4] =	ssyncset.done $0x0  }
0x1ad: {  	[sflag:s4] =	ssyncadd.s32 $0xFFFFF800  }
0x1ae: {  	_ =	swait.ge [sflag:s4], $0x800  }
0x1af: {  	[sflag:s4] =	ssyncset.done $0x0  }
0x1b0: {  	[sflag:s4] =	ssyncadd.s32 $0xFFFFF800  }
0x1b1: {  	_ =	swait.ge [sflag:s4], $0x800  }
0x1b2: {  	s5 =	simm.s32 $0x7;
	[sflag:s4] =	ssyncset.done $0x0  }
0x1b3: {  	s0 =	smin.u32 s5, $0xFE;
	s16 =	rddreg [dreg:$0x7];
	[sflag:s4] =	ssyncadd.s32 $0xFFFFF800  }
0x1b4: {  	[hbm4b:s16+s2] =	stream.linear.scatter [tilespmem:s18], [sflag:$0x2], $0x10000, $0x38;
	[tilespmem:$0x11040] =	vst v63  }
0x1b5: {  	s0 =	smul.u32 $0x19, s0;
	_ =	swait.ge [sflag:s13], $0x10000  }
0x1b6: {  	[sflag:s13] =	ssyncset.done $0x0  }
0x1b7: {  	v3 =	vadd.s32 s0, v2;
	s6 =	simm.s32 $0x0;
	[sflag:s13] =	ssyncadd.s32 $0xFFFF0000  }
0x1b8: {  	s14 =	simm.s32 $0x19;
	v4 =	vadd.s32 s6, v2;
	[tilespmem:s1+$0x30] =	vst v3  }
0x1b9: {  	s15 =	simm.s32 $0x32;
	[tilespmem:s1+$0xFFFFFFC0] =	vst v4;
	v3 =	vadd.s32 s14, v2  }
0x1ba: {  	s0 =	simm.s32 $0x15E;
	s16 =	simm.s32 $0x4B;
	[tilespmem:s1+$0xFFFFFFD0] =	vst v3;
	v3 =	vadd.s32 s15, v2  }
0x1bb: {  	s6 =	simm.s32 $0x64;
	s14 =	simm.s32 $0x96;
	s15 =	simm.s32 $0xF;
	[tilespmem:s1+$0xFFFFFFE0] =	vst v3;
	v3 =	vadd.s32 s16, v2  }
0x1bc: {  	s5 =	smin.u32 s15, $0xFE;
	s16 =	simm.s32 $0x226;
	[tilespmem:s1+$0xFFFFFFF0] =	vst v3;
	v3 =	vadd.s32 s6, v2;
	s6 =	simm.s32 $0x7D  }
.LBB2_6:
0x1bd: {  	p0 =	sne.s32 s16, $0x18CE;
	s5 =	smul.u32 $0x19, s5;
	[tilespmem:s1+$0x0] =	vst v3;
	v3 =	vadd.s32 s6, v2  }
0x1be: {  	[tilespmem:s1+$0x10] =	vst v3;
	v3 =	vadd.s32 s14, v2;
	s14 =	smov.u32 s0;
	s0 =	smov.u32 s16  }
0x1bf: {  	s6 =	sadd.s32 $0xFFFFFF6A, s14;
	v4 =	vadd.s32 s5, v2;
	[tilespmem:s1+$0x20] =	vst v3;
	s1 =	sadd.s32 $0x80, s1  }
.Ltmp2:
0x1c0: {  	s5 =	sadd.s32 $0xFFFFFF83, s14;
	v3 =	vadd.s32 s6, v2;
	[tilespmem:s1+$0x30] =	vst v4;
	(pc) =	sbr.rel @p0 .LBB2_6-.Ltmp2, $4  }
0x1c1: {  	[tilespmem:s1+$0xFFFFFFC0] =	vst v3;
	v3 =	vadd.s32 s5, v2;
	s5 =	sadd.s32 $0xFFFFFF9C, s14  }
0x1c2: {  	[tilespmem:s1+$0xFFFFFFD0] =	vst v3;
	v3 =	vadd.s32 s5, v2;
	s5 =	sadd.s32 $0xFFFFFFB5, s14  }
0x1c3: {  	s15 =	sadd.s32 $0x8, s15;
	s6 =	sadd.s32 $0xFFFFFFCE, s14;
	[tilespmem:s1+$0xFFFFFFE0] =	vst v3;
	v3 =	vadd.s32 s5, v2  }
0x1c4: {  	s16 =	sadd.s32 $0xC8, s16;
	s5 =	smin.u32 s15, $0xFE;
	[tilespmem:s1+$0xFFFFFFF0] =	vst v3;
	v3 =	vadd.s32 s6, v2;
	s6 =	sadd.s32 $0xFFFFFFE7, s14  }
0x1c5: {  	v4 =	vadd.s32 s6, v2;
	[tilespmem:s1+$0x0] =	vst v3  }
0x1c6: {  	s5 =	smul.u32 $0x19, s5;
	v3 =	vadd.s32 s14, v2;
	s14 =	sadd.s32 $0xFFFFFF6A, s0;
	[tilespmem:s1+$0x10] =	vst v4  }
0x1c7: {  	[tilespmem:s1+$0x20] =	vst v3;
	s1 =	sadd.s32 $0x80, s1;
	v3 =	vadd.s32 s14, v2  }
0x1c8: {  	s15 =	sadd.s32 $0xFFFFFF83, s0;
	v62 =	vadd.s32 s5, v2;
	[tilespmem:s1+$0xFFFFFFC0] =	vst v3  }
0x1c9: {  	s16 =	sadd.s32 $0xFFFFFF9C, s0;
	v3 =	vadd.s32 s15, v2;
	[tilespmem:s1+$0x30] =	vst v62  }
0x1ca: {  	s15 =	sadd.s32 $0xFFFFFFE7, s0;
	[tilespmem:s1+$0xFFFFFFD0] =	vst v3;
	v3 =	vadd.s32 s16, v2  }
0x1cb: {  	s6 =	sadd.s32 $0xFFFFFFB5, s0;
	v63 =	vadd.s32 s15, v2;
	[tilespmem:s1+$0xFFFFFFE0] =	vst v3  }
0x1cc: {  	s14 =	sadd.s32 $0xFFFFFFCE, s0;
	v3 =	vadd.s32 s6, v2;
	[tilespmem:s1+$0x10] =	vst v63  }
0x1cd: {  	[tilespmem:s1+$0xFFFFFFF0] =	vst v3;
	v3 =	vadd.s32 s14, v2  }
0x1ce: {  	v2 =	vadd.s32 s0, v2;
	[tilespmem:s1+$0x0] =	vst v3  }
0x1cf: {  	s16 =	simm.s32 $0x40;
	[tilespmem:s1+$0x20] =	vst v2  }
0x1d0: {  	[tilespmem:s18], [sflag:$0x1] =	stream.indirect.gather [hbm4b:s3+s30], $0x10, s16, s30, $0xb8;
	[tilespmem:$0x11040] =	vst v63  }
0x1d1: {  	s5 =	simm.s32 $0x1840;
	s1 =	simm.s32 $0xC0  }
0x1d2: {  	[tilespmem:s5], [sflag:$0x1] =	stream.indirect.gather [hbm4b:s3+s30], $0x10, s1, s30, $0xb8;
	[tilespmem:$0x11040] =	vst v63  }
0x1d3: {  	s6 =	simm.s32 $0x140;
	s14 =	simm.s32 $0x2040  }
0x1d4: {  	[tilespmem:s14], [sflag:$0x1] =	stream.indirect.gather [hbm4b:s3+s30], $0x10, s6, s30, $0xb8;
	[tilespmem:$0x11040] =	vst v63  }
0x1d5: {  	s15 =	simm.s32 $0x1C0;
	s16 =	simm.s32 $0x2840  }
0x1d6: {  	[tilespmem:s16], [sflag:$0x1] =	stream.indirect.gather [hbm4b:s3+s30], $0x10, s15, s30, $0xb8;
	[tilespmem:$0x11040] =	vst v63  }
0x1d7: {  	s1 =	simm.s32 $0x240;
	s5 =	simm.s32 $0x3040  }
0x1d8: {  	[tilespmem:s5], [sflag:$0x1] =	stream.indirect.gather [hbm4b:s3+s30], $0x10, s1, s30, $0xb8;
	[tilespmem:$0x11040] =	vst v63  }
0x1d9: {  	s6 =	simm.s32 $0x2C0;
	s14 =	simm.s32 $0x3840  }
0x1da: {  	[tilespmem:s14], [sflag:$0x1] =	stream.indirect.gather [hbm4b:s3+s30], $0x10, s6, s30, $0xb8;
	[tilespmem:$0x11040] =	vst v63  }
0x1db: {  	s15 =	simm.s32 $0x340;
	s16 =	simm.s32 $0x4040  }
0x1dc: {  	[tilespmem:s16], [sflag:$0x1] =	stream.indirect.gather [hbm4b:s3+s30], $0x10, s15, s30, $0xb8;
	[tilespmem:$0x11040] =	vst v63  }
0x1dd: {  	s1 =	simm.s32 $0x3C0;
	s5 =	simm.s32 $0x4840  }
0x1de: {  	[tilespmem:s5], [sflag:$0x1] =	stream.indirect.gather [hbm4b:s3+s30], $0x10, s1, s30, $0xb8;
	[tilespmem:$0x11040] =	vst v63  }
0x1df: {  	s6 =	simm.s32 $0x440;
	s14 =	simm.s32 $0x5040  }
0x1e0: {  	[tilespmem:s14], [sflag:$0x1] =	stream.indirect.gather [hbm4b:s3+s30], $0x10, s6, s30, $0xb8;
	[tilespmem:$0x11040] =	vst v63  }
0x1e1: {  	s15 =	simm.s32 $0x4C0;
	s16 =	simm.s32 $0x5840  }
0x1e2: {  	[tilespmem:s16], [sflag:$0x1] =	stream.indirect.gather [hbm4b:s3+s30], $0x10, s15, s30, $0xb8;
	[tilespmem:$0x11040] =	vst v63  }
0x1e3: {  	s1 =	simm.s32 $0x540;
	s5 =	simm.s32 $0x6040  }
0x1e4: {  	[tilespmem:s5], [sflag:$0x1] =	stream.indirect.gather [hbm4b:s3+s30], $0x10, s1, s30, $0xb8;
	[tilespmem:$0x11040] =	vst v63  }
0x1e5: {  	s6 =	simm.s32 $0x5C0;
	s14 =	simm.s32 $0x6840  }
0x1e6: {  	[tilespmem:s14], [sflag:$0x1] =	stream.indirect.gather [hbm4b:s3+s30], $0x10, s6, s30, $0xb8;
	[tilespmem:$0x11040] =	vst v63  }
0x1e7: {  	s15 =	simm.s32 $0x640;
	s16 =	simm.s32 $0x7040  }
0x1e8: {  	[tilespmem:s16], [sflag:$0x1] =	stream.indirect.gather [hbm4b:s3+s30], $0x10, s15, s30, $0xb8;
	[tilespmem:$0x11040] =	vst v63  }
0x1e9: {  	s1 =	simm.s32 $0x6C0;
	s5 =	simm.s32 $0x7840  }
0x1ea: {  	[tilespmem:s5], [sflag:$0x1] =	stream.indirect.gather [hbm4b:s3+s30], $0x10, s1, s30, $0xb8;
	[tilespmem:$0x11040] =	vst v63  }
0x1eb: {  	s6 =	simm.s32 $0x740;
	s14 =	simm.s32 $0x8040  }
0x1ec: {  	[tilespmem:s14], [sflag:$0x1] =	stream.indirect.gather [hbm4b:s3+s30], $0x10, s6, s30, $0xb8;
	[tilespmem:$0x11040] =	vst v63  }
0x1ed: {  	s15 =	simm.s32 $0x7C0;
	s16 =	simm.s32 $0x8840  }
0x1ee: {  	[tilespmem:s16], [sflag:$0x1] =	stream.indirect.gather [hbm4b:s3+s30], $0x10, s15, s30, $0xb8;
	[tilespmem:$0x11040] =	vst v63  }
0x1ef: {  	s1 =	simm.s32 $0x840;
	s5 =	simm.s32 $0x9040  }
0x1f0: {  	[tilespmem:s5], [sflag:$0x1] =	stream.indirect.gather [hbm4b:s3+s30], $0x10, s1, s30, $0xb8;
	[tilespmem:$0x11040] =	vst v63  }
0x1f1: {  	s6 =	simm.s32 $0x8C0;
	s14 =	simm.s32 $0x9840  }
0x1f2: {  	[tilespmem:s14], [sflag:$0x1] =	stream.indirect.gather [hbm4b:s3+s30], $0x10, s6, s30, $0xb8;
	[tilespmem:$0x11040] =	vst v63  }
0x1f3: {  	s15 =	simm.s32 $0x940;
	s16 =	simm.s32 $0xA040  }
0x1f4: {  	[tilespmem:s16], [sflag:$0x1] =	stream.indirect.gather [hbm4b:s3+s30], $0x10, s15, s30, $0xb8;
	[tilespmem:$0x11040] =	vst v63  }
0x1f5: {  	s1 =	simm.s32 $0x9C0;
	s5 =	simm.s32 $0xA840  }
0x1f6: {  	[tilespmem:s5], [sflag:$0x1] =	stream.indirect.gather [hbm4b:s3+s30], $0x10, s1, s30, $0xb8;
	[tilespmem:$0x11040] =	vst v63  }
0x1f7: {  	s6 =	simm.s32 $0xA40;
	s14 =	simm.s32 $0xB040  }
0x1f8: {  	[tilespmem:s14], [sflag:$0x1] =	stream.indirect.gather [hbm4b:s3+s30], $0x10, s6, s30, $0xb8;
	[tilespmem:$0x11040] =	vst v63  }
0x1f9: {  	s15 =	simm.s32 $0xAC0;
	s16 =	simm.s32 $0xB840  }
0x1fa: {  	[tilespmem:s16], [sflag:$0x1] =	stream.indirect.gather [hbm4b:s3+s30], $0x10, s15, s30, $0xb8;
	[tilespmem:$0x11040] =	vst v63  }
0x1fb: {  	s5 =	simm.s32 $0xB40;
	s6 =	simm.s32 $0xC040  }
0x1fc: {  	[tilespmem:s6], [sflag:$0x1] =	stream.indirect.gather [hbm4b:s3+s30], $0x10, s5, s30, $0xb8;
	[tilespmem:$0x11040] =	vst v63  }
0x1fd: {  	s14 =	simm.s32 $0xBC0  }
0x1fe: {  	[tilespmem:s7], [sflag:$0x1] =	stream.indirect.gather [hbm4b:s3+s30], $0x10, s14, s30, $0xb8;
	[tilespmem:$0x11040] =	vst v63  }
0x1ff: {  	_ = 	snop  }
0x200: {  	[tilespmem:s9], [sflag:$0x1] =	stream.indirect.gather [hbm4b:s3+s30], $0x10, s8, s30, $0xb8;
	[tilespmem:$0x11040] =	vst v63  }
0x201: {  	_ = 	snop  }
0x202: {  	[tilespmem:s11], [sflag:$0x1] =	stream.indirect.gather [hbm4b:s3+s30], $0x10, s10, s30, $0xb8;
	[tilespmem:$0x11040] =	vst v63  }
0x203: {  	_ = 	snop  }
0x204: {  	[tilespmem:s17], [sflag:$0x1] =	stream.indirect.gather [hbm4b:s3+s30], $0x10, s12, s30, $0xb8;
	[tilespmem:$0x11040] =	vst v63  }
0x205: {  	_ = 	snop  }
0x206: {  	[tilespmem:s20], [sflag:$0x1] =	stream.indirect.gather [hbm4b:s3+s30], $0x10, s19, s30, $0xb8;
	[tilespmem:$0x11040] =	vst v63  }
0x207: {  	_ = 	snop  }
0x208: {  	[tilespmem:s22], [sflag:$0x1] =	stream.indirect.gather [hbm4b:s3+s30], $0x10, s21, s30, $0xb8;
	[tilespmem:$0x11040] =	vst v63  }
0x209: {  	_ = 	snop  }
0x20a: {  	[tilespmem:s24], [sflag:$0x1] =	stream.indirect.gather [hbm4b:s3+s30], $0x10, s23, s30, $0xb8;
	[tilespmem:$0x11040] =	vst v63  }
0x20b: {  	_ = 	snop  }
0x20c: {  	[tilespmem:s26], [sflag:$0x1] =	stream.indirect.gather [hbm4b:s3+s30], $0x10, s25, s30, $0xb8;
	[tilespmem:$0x11040] =	vst v63  }
0x20d: {  	_ = 	snop  }
0x20e: {  	[tilespmem:s29], [sflag:$0x1] =	stream.indirect.gather [hbm4b:s3+s30], $0x10, s28, s30, $0xb8;
	[tilespmem:$0x11040] =	vst v63  }
0x20f: {  	_ =	swait.ge [sflag:s4], $0x800  }
0x210: {  	[sflag:s4] =	ssyncset.done $0x0  }
0x211: {  	[sflag:s4] =	ssyncadd.s32 $0xFFFFF800  }
0x212: {  	_ =	swait.ge [sflag:s4], $0x800  }
0x213: {  	[sflag:s4] =	ssyncset.done $0x0  }
0x214: {  	[sflag:s4] =	ssyncadd.s32 $0xFFFFF800  }
0x215: {  	_ =	swait.ge [sflag:s4], $0x800  }
0x216: {  	[sflag:s4] =	ssyncset.done $0x0  }
0x217: {  	[sflag:s4] =	ssyncadd.s32 $0xFFFFF800  }
0x218: {  	_ =	swait.ge [sflag:s4], $0x800  }
0x219: {  	[sflag:s4] =	ssyncset.done $0x0  }
0x21a: {  	[sflag:s4] =	ssyncadd.s32 $0xFFFFF800  }
0x21b: {  	_ =	swait.ge [sflag:s4], $0x800  }
0x21c: {  	[sflag:s4] =	ssyncset.done $0x0  }
0x21d: {  	[sflag:s4] =	ssyncadd.s32 $0xFFFFF800  }
0x21e: {  	_ =	swait.ge [sflag:s4], $0x800  }
0x21f: {  	[sflag:s4] =	ssyncset.done $0x0  }
0x220: {  	[sflag:s4] =	ssyncadd.s32 $0xFFFFF800  }
0x221: {  	_ =	swait.ge [sflag:s4], $0x800  }
0x222: {  	[sflag:s4] =	ssyncset.done $0x0  }
0x223: {  	[sflag:s4] =	ssyncadd.s32 $0xFFFFF800  }
0x224: {  	_ =	swait.ge [sflag:s4], $0x800  }
0x225: {  	[sflag:s4] =	ssyncset.done $0x0  }
0x226: {  	[sflag:s4] =	ssyncadd.s32 $0xFFFFF800  }
0x227: {  	_ =	swait.ge [sflag:s4], $0x800  }
0x228: {  	[sflag:s4] =	ssyncset.done $0x0  }
0x229: {  	[sflag:s4] =	ssyncadd.s32 $0xFFFFF800  }
0x22a: {  	_ =	swait.ge [sflag:s4], $0x800  }
0x22b: {  	[sflag:s4] =	ssyncset.done $0x0  }
0x22c: {  	[sflag:s4] =	ssyncadd.s32 $0xFFFFF800  }
0x22d: {  	_ =	swait.ge [sflag:s4], $0x800  }
0x22e: {  	[sflag:s4] =	ssyncset.done $0x0  }
0x22f: {  	[sflag:s4] =	ssyncadd.s32 $0xFFFFF800  }
0x230: {  	_ =	swait.ge [sflag:s4], $0x800  }
0x231: {  	[sflag:s4] =	ssyncset.done $0x0  }
0x232: {  	[sflag:s4] =	ssyncadd.s32 $0xFFFFF800  }
0x233: {  	_ =	swait.ge [sflag:s4], $0x800  }
0x234: {  	[sflag:s4] =	ssyncset.done $0x0  }
0x235: {  	[sflag:s4] =	ssyncadd.s32 $0xFFFFF800  }
0x236: {  	_ =	swait.ge [sflag:s4], $0x800  }
0x237: {  	[sflag:s4] =	ssyncset.done $0x0  }
0x238: {  	[sflag:s4] =	ssyncadd.s32 $0xFFFFF800  }
0x239: {  	_ =	swait.ge [sflag:s4], $0x800  }
0x23a: {  	[sflag:s4] =	ssyncset.done $0x0  }
0x23b: {  	[sflag:s4] =	ssyncadd.s32 $0xFFFFF800  }
0x23c: {  	_ =	swait.ge [sflag:s4], $0x800  }
0x23d: {  	[sflag:s4] =	ssyncset.done $0x0  }
0x23e: {  	[sflag:s4] =	ssyncadd.s32 $0xFFFFF800  }
0x23f: {  	_ =	swait.ge [sflag:s4], $0x800  }
0x240: {  	[sflag:s4] =	ssyncset.done $0x0  }
0x241: {  	[sflag:s4] =	ssyncadd.s32 $0xFFFFF800  }
0x242: {  	_ =	swait.ge [sflag:s4], $0x800  }
0x243: {  	[sflag:s4] =	ssyncset.done $0x0  }
0x244: {  	[sflag:s4] =	ssyncadd.s32 $0xFFFFF800  }
0x245: {  	_ =	swait.ge [sflag:s4], $0x800  }
0x246: {  	[sflag:s4] =	ssyncset.done $0x0  }
0x247: {  	[sflag:s4] =	ssyncadd.s32 $0xFFFFF800  }
0x248: {  	_ =	swait.ge [sflag:s4], $0x800  }
0x249: {  	[sflag:s4] =	ssyncset.done $0x0  }
0x24a: {  	[sflag:s4] =	ssyncadd.s32 $0xFFFFF800  }
0x24b: {  	_ =	swait.ge [sflag:s4], $0x800  }
0x24c: {  	[sflag:s4] =	ssyncset.done $0x0  }
0x24d: {  	[sflag:s4] =	ssyncadd.s32 $0xFFFFF800  }
0x24e: {  	_ =	swait.ge [sflag:s4], $0x800  }
0x24f: {  	[sflag:s4] =	ssyncset.done $0x0  }
0x250: {  	[sflag:s4] =	ssyncadd.s32 $0xFFFFF800  }
0x251: {  	_ =	swait.ge [sflag:s4], $0x800  }
0x252: {  	[sflag:s4] =	ssyncset.done $0x0  }
0x253: {  	[sflag:s4] =	ssyncadd.s32 $0xFFFFF800  }
0x254: {  	_ =	swait.ge [sflag:s4], $0x800  }
0x255: {  	[sflag:s4] =	ssyncset.done $0x0  }
0x256: {  	[sflag:s4] =	ssyncadd.s32 $0xFFFFF800  }
0x257: {  	_ =	swait.ge [sflag:s4], $0x800  }
0x258: {  	[sflag:s4] =	ssyncset.done $0x0  }
0x259: {  	[sflag:s4] =	ssyncadd.s32 $0xFFFFF800  }
0x25a: {  	_ =	swait.ge [sflag:s4], $0x800  }
0x25b: {  	[sflag:s4] =	ssyncset.done $0x0  }
0x25c: {  	[sflag:s4] =	ssyncadd.s32 $0xFFFFF800  }
0x25d: {  	_ =	swait.ge [sflag:s4], $0x800  }
0x25e: {  	[sflag:s4] =	ssyncset.done $0x0  }
0x25f: {  	[sflag:s4] =	ssyncadd.s32 $0xFFFFF800  }
0x260: {  	_ =	swait.ge [sflag:s4], $0x800  }
0x261: {  	[sflag:s4] =	ssyncset.done $0x0  }
0x262: {  	[sflag:s4] =	ssyncadd.s32 $0xFFFFF800  }
0x263: {  	_ =	swait.ge [sflag:s4], $0x800  }
0x264: {  	[sflag:s4] =	ssyncset.done $0x0  }
0x265: {  	[sflag:s4] =	ssyncadd.s32 $0xFFFFF800  }
0x266: {  	_ =	swait.ge [sflag:s4], $0x800  }
0x267: {  	[sflag:s4] =	ssyncset.done $0x0  }
0x268: {  	[sflag:s4] =	ssyncadd.s32 $0xFFFFF800  }
0x269: {  	_ =	swait.ge [sflag:s4], $0x800  }
0x26a: {  	[sflag:s4] =	ssyncset.done $0x0  }
0x26b: {  	[sflag:s4] =	ssyncadd.s32 $0xFFFFF800  }
0x26c: {  	_ =	swait.ge [sflag:s4], $0x800  }
0x26d: {  	[sflag:s4] =	ssyncset.done $0x0  }
0x26e: {  	s15 =	rddreg [dreg:$0x8];
	[sflag:s4] =	ssyncadd.s32 $0xFFFFF800  }
0x26f: {  	[hbm4b:s15+s2] =	stream.linear.scatter [tilespmem:s18], [sflag:$0x2], $0x10000, $0x38;
	[tilespmem:$0x11040] =	vst v63  }
0x270: {  	_ =	swait.ge [sflag:s13], $0x10000  }
0x271: {  	s31 =	sadd.s32 $0x1, s31;
	s16 =	rddreg [dreg:$0x9]  }
0x272: {  	p0 =	sne.s32 s31, s16  }
.Ltmp3:
0x273: {  	_ = 	snop;
	(pc) =	sbr.rel @p0 .LBB2_1-.Ltmp3, $3  }
0x274: {  	_ =	sdelay $0x1  }
0x275: {  	[sflag:s13] =	ssyncset.done $0x0  }
0x276: {  	[sflag:s13] =	ssyncadd.s32 $0xFFFF0000  }
0x277: {  	_ =	sfence.sel $0x180000  }
0x278: {  	[bflag:$0x0] =	sbarrier.arrive $0xFFFF  }
0x279: {  	_ =	strace $0x90000047  }
0x27a: {  	s0 =	stileid.u32;
	[bflag:$0x2] =	sbarrier.arrive $0xFFFF  }
0x27b: {  	p0 =	sne.s32 s0, $0x0;
	s0 =	rddreg [dreg:$0x1]  }
0x27c: {  	s0 =	sadd.s32 @!p0 $0x100000, s0  }
0x27d: {  	[sflag:s0] =	ssyncadd.tile.s32 @!p0 $0x1;
	_ =	shalt  }
.Lfunc_end2:
_tile_overlayer_lowered:
.L_overlay_start_2:
0x27e: {  	(tag) =	ssettag $0x2  }
0x27f: {  	s0 =	rddreg [dreg:$0x0];
	s2 =	stileid.u32  }
0x280: {  	s1 =	rddreg [dreg:$0x1];
	p0 =	sne.s32 s2, $0x0  }
0x281: {  	s3 =	rddreg [dreg:$0x2];
	[bflag:$0x3] =	sbarrier.arrive $0xFFFF;
	s2 =	simm.s32 @!p0 $0x1C02  }
0x282: {  	[timem:s3], [sflag:s2] =	dma.local @!p0 [hbm:s0], s1  }
0x283: {  	s0 =	simm.s32 @!p0 $0x2  }
0x284: {  	_ =	swait.ge @!p0 [sflag:s0], s1  }
0x285: {  	s1 =	ssub.s32 @!p0 $0x0, s1;
	[sflag:s0] =	ssyncset.done @!p0 $0x0  }
0x286: {  	[sflag:s0] =	ssyncadd.s32 @!p0 s1  }
0x287: {  	[bflag:$0x3] =	sbarrier.arrive $0xFFFF  }
0x288: {  	_ =	shalt  }

</sc_bundles>
